<compile_context>
chip_gen: v7x
topology: tpu7x:2x2x1
jax: 0.10.2.dev20260603
libtpu: 0.0.44.dev20260713+nightly
codegen_flags: <defaults>
</compile_context>

<pallas_src>
import jax
import jax.numpy as jnp
from jax import lax
from jax.experimental import pallas as pl
from jax.experimental.pallas import tpu as pltpu
from jax.experimental.pallas import tpu_sc as plsc

N_NODES = 100000
N_EDGES = 3200000
N_CLICKED = 64
GAMMA = 0.5
ALPHA = 0.25
EPS = 1e-6

NPAD = 100352
ROWS = 784
LANES = 128
NUM_CORES = 2
NUM_SUBCORES = 16
NW = NUM_CORES * NUM_SUBCORES

TILES_TOTAL = N_EDGES // 128
TILES_BASE = TILES_TOTAL // NW
TILES_EXTRA = TILES_TOTAL - TILES_BASE * NW
WIN_TILES = 39
WIN = WIN_TILES * 128
N_FULL = TILES_BASE // WIN_TILES
MAX_TAIL = TILES_BASE + 1 - N_FULL * WIN_TILES
POS_W = 1 << 24

MERGE_CHUNK = 112
N_MERGE = ROWS // MERGE_CHUNK


def _sc_scatter_body(nodes_hbm, clicked_hbm, out_hbm,
                     buf0, buf1, tail_v, clk_v, ridx_v, mask_v, cnt_s,
                     sem0, sem1):
    c = lax.axis_index("c")
    s = lax.axis_index("s")
    wid = c * NUM_SUBCORES + s

    one16 = jnp.ones((16,), jnp.int32)
    zero16 = jnp.zeros((16,), jnp.int32)
    lanes16 = lax.broadcasted_iota(jnp.int32, (16,), 0)

    base_t = wid * TILES_BASE + jnp.minimum(wid, TILES_EXTRA)
    n_tail = TILES_BASE - N_FULL * WIN_TILES + jnp.where(wid < TILES_EXTRA, 1, 0)

    def win_src(w):
        return nodes_hbm.at[:, pl.ds((base_t + w * WIN_TILES) * 128, WIN)]

    pltpu.async_copy(win_src(0), buf0, sem0)
    pltpu.async_copy(win_src(1), buf1, sem1)

    @plsc.parallel_loop(0, ROWS, 1, unroll=8)
    def _zero(i):
        for u in range(LANES // 16):
            mask_v[i, pl.ds(u * 16, 16)] = zero16

    for j in range(N_MERGE):
        for u in range(MERGE_CHUNK // 16):
            ridx_v[j, pl.ds(u * 16, 16)] = lanes16 + (j * MERGE_CHUNK + u * 16)

    @pl.when(s == 0)
    def _init_shared():
        pltpu.sync_copy(mask_v, cnt_s)

    plsc.subcore_barrier()

    def scatter16(idx16):
        r16 = lax.shift_right_logical(idx16, 7)
        c16 = lax.bitwise_and(idx16, 127)
        plsc.store_scatter(mask_v, [r16, c16], one16)

    def scatter_block(buf):
        @plsc.parallel_loop(0, WIN, 16, unroll=8)
        def _(k):
            scatter16(buf[0, pl.ds(k, 16)])

    def ring_body(j, carry):
        w0 = 2 * j
        pltpu.make_async_copy(win_src(0), buf0, sem0).wait()
        scatter_block(buf0)

        @pl.when(w0 + 2 < N_FULL)
        def _():
            pltpu.async_copy(win_src(w0 + 2), buf0, sem0)

        pltpu.make_async_copy(win_src(0), buf1, sem1).wait()
        scatter_block(buf1)

        @pl.when(w0 + 3 < N_FULL)
        def _():
            pltpu.async_copy(win_src(w0 + 3), buf1, sem1)

        return carry

    lax.fori_loop(0, N_FULL // 2, ring_body, 0)

    def tail_win(k):
        col = (base_t + N_FULL * WIN_TILES + k) * 128
        pltpu.sync_copy(nodes_hbm.at[:, pl.ds(col, 128)], tail_v)
        for u in range(8):
            scatter16(tail_v[0, pl.ds(u * 16, 16)])

    tail_win(0)

    @pl.when(n_tail > 1)
    def _tail2():
        tail_win(1)

    @pl.when(wid == 0)
    def _clicked():
        pltpu.sync_copy(clicked_hbm, clk_v)
        posw16 = jnp.full((16,), POS_W, jnp.int32)
        for g in range(N_CLICKED // 16):
            idx16 = clk_v[pl.ds(g * 16, 16)]
            r16 = lax.shift_right_logical(idx16, 7)
            c16 = lax.bitwise_and(idx16, 127)
            for lane in range(16):
                plsc.addupdate_scatter(mask_v, [r16, c16], posw16,
                                       mask=lanes16 == lane)

    for j in range(N_MERGE):
        pltpu.sync_copy(mask_v.at[pl.ds(j * MERGE_CHUNK, MERGE_CHUNK)],
                        cnt_s.at[ridx_v.at[j]], add=True)

    plsc.subcore_barrier()

    @pl.when(s == 0)
    def _flush():
        pltpu.sync_copy(cnt_s, out_hbm.at[c])


_sc_scatter = pl.kernel(
    _sc_scatter_body,
    out_type=jax.ShapeDtypeStruct((NUM_CORES, ROWS, LANES), jnp.int32),
    mesh=plsc.VectorSubcoreMesh(core_axis_name="c", subcore_axis_name="s"),
    compiler_params=pltpu.CompilerParams(needs_layout_passes=False),
    scratch_types=[
        pltpu.VMEM((2, WIN), jnp.int32),
        pltpu.VMEM((2, WIN), jnp.int32),
        pltpu.VMEM((2, 128), jnp.int32),
        pltpu.VMEM((N_CLICKED,), jnp.int32),
        pltpu.VMEM((N_MERGE, MERGE_CHUNK), jnp.int32),
        pltpu.VMEM((ROWS, LANES), jnp.int32),
        pltpu.VMEM_SHARED((ROWS, LANES), jnp.int32),
        pltpu.SemaphoreType.DMA,
        pltpu.SemaphoreType.DMA,
    ],
)


def _tc_pre_body(x_ref, neg_ref, pos_ref):
    x = x_ref[...]
    logit = jnp.clip(1.0 / (1.0 + jnp.exp(-x)), EPS, 1.0 - EPS)
    soft = jnp.log1p(jnp.exp(-jnp.abs(x)))
    bce0 = jnp.maximum(x, 0.0) + soft
    bce1 = bce0 - x
    neg_ref[...] = bce0 * ((1.0 - ALPHA) * jnp.sqrt(logit))
    pos_ref[...] = bce1 * (ALPHA * jnp.sqrt(1.0 - logit))


_tc_pre = pl.pallas_call(
    _tc_pre_body,
    out_shape=[
        jax.ShapeDtypeStruct((ROWS, LANES), jnp.float32),
        jax.ShapeDtypeStruct((ROWS, LANES), jnp.float32),
    ],
    in_specs=[pl.BlockSpec(memory_space=pltpu.VMEM)],
    out_specs=[
        pl.BlockSpec(memory_space=pltpu.VMEM),
        pl.BlockSpec(memory_space=pltpu.VMEM),
    ],
)


def _tc_reduce_body(cnt_ref, neg_ref, pos_ref, o_ref):
    cnt = cnt_ref[0]
    for t in range(1, NUM_CORES):
        cnt = cnt + cnt_ref[t]
    pc = lax.shift_right_logical(cnt, POS_W.bit_length() - 1)
    present = (cnt & (POS_W - 1)) > 0
    neg_mask = present & (pc == 0)

    total = (jnp.sum(jnp.where(neg_mask, neg_ref[...], 0.0))
             + jnp.sum(pc.astype(jnp.float32) * pos_ref[...]))
    count = jnp.sum(neg_mask.astype(jnp.float32)) + jnp.float32(N_CLICKED)
    o_ref[0, 0] = total / count


_tc_reduce = pl.pallas_call(
    _tc_reduce_body,
    out_shape=jax.ShapeDtypeStruct((1, 1), jnp.float32),
    in_specs=[
        pl.BlockSpec(memory_space=pltpu.VMEM),
        pl.BlockSpec(memory_space=pltpu.VMEM),
        pl.BlockSpec(memory_space=pltpu.VMEM),
    ],
    out_specs=pl.BlockSpec(memory_space=pltpu.SMEM),
)


def kernel(input, nodes, clicked):
    cnt = _sc_scatter(nodes, clicked.astype(jnp.int32))
    x_pad = jnp.pad(input, (0, NPAD - N_NODES)).reshape(ROWS, LANES)
    neg, pos = _tc_pre(x_pad)
    out = _tc_reduce(cnt, neg, pos)
    return out[0, 0]

# --- scband reference (transcript-rebuilt; emitter-appended) ---
"""Pipeline reference for scband-cluster-focal-loss-20607253086623 (READ-ONLY COPY).

The authoritative reference and input builder live on the scoring server;
editing this copy changes nothing except your own understanding.
"""

import jax, jax.numpy as jnp
import numpy as np

N_NODES = 100000
N_EDGES = 3200000
N_CLICKED = 64
GAMMA = 0.5
ALPHA = 0.25
EPS = 1e-6


def setup_inputs(seed: int = 0) -> dict:
    key = jax.random.key(seed)
    k1, k2, k3 = jax.random.split(key, 3)
    inp = jax.random.normal(k1, (N_NODES,), dtype=jnp.float32)
    # nodes[0] = node ids, nodes[-1] = cluster ids (only nodes[0] used in 'single' mode,
    # but nodes[-1] is uniqued unconditionally in the torch code)
    nodes = jax.random.randint(k2, (2, N_EDGES), 0, N_NODES, dtype=jnp.int32)
    clicked = jax.random.randint(k3, (N_CLICKED,), 0, N_NODES, dtype=jnp.int32)
    return {"input": inp, "nodes": nodes, "clicked": clicked}


def reference(input, nodes, clicked):
    # get_pos_negs, mode='single'
    n = input.shape[0]
    present = jnp.zeros((n,), dtype=bool).at[nodes[0, :]].set(True)
    pos_nodes = clicked.astype(jnp.int32)
    is_pos = jnp.zeros((n,), dtype=bool).at[pos_nodes].set(True)
    # neg nodes: ids present in nodes[0] and not in pos_nodes (sorted id order,
    # matching jnp.unique's sorted output)
    neg_mask = present & ~is_pos

    def focal(x, tgt):
        logit = jnp.clip(jax.nn.sigmoid(x), EPS, 1.0 - EPS)
        # binary_cross_entropy_with_logits, reduction='none' (numerically stable form)
        bce = jnp.maximum(x, 0.0) - x * tgt + jnp.log1p(jnp.exp(-jnp.abs(x)))
        # pt1 = logit where tgt==1 -> factor alpha*(1-logit)**gamma
        # pt0 = 1-logit where tgt==0 -> (1-pt0)=logit -> factor (1-alpha)*logit**gamma
        mod = jnp.where(tgt == 1.0, ALPHA * (1.0 - logit) ** GAMMA, (1.0 - ALPHA) * logit ** GAMMA)
        return bce * mod

    neg_loss = focal(input, jnp.float32(0.0))
    pos_loss = focal(input[pos_nodes], jnp.float32(1.0))
    total = jnp.sum(jnp.where(neg_mask, neg_loss, jnp.float32(0.0))) + jnp.sum(pos_loss)
    count = jnp.sum(neg_mask).astype(jnp.float32) + jnp.float32(pos_nodes.shape[0])
    return total / count

if __name__ == "__main__":
    import jax
    _d = setup_inputs()
    print(jax.jit(kernel)(*tuple(_d.values())))

</pallas_src>

<mosaic_0001>
#map = affine_map<(d0, d1) -> (0, 0)>
#map1 = affine_map<(d0, d1) -> (0)>
#map2 = affine_map<(d0, d1) -> (0, 0, 0)>
module attributes {stable_mosaic.version = 14 : i64} {
  func.func @_sc_scatter_body(%arg0: i32, %arg1: i32, %arg2: memref<2x3200000xi32, #tpu.memory_space<hbm>>, %arg3: memref<64xi32, #tpu.memory_space<hbm>>, %arg4: memref<2x784x128xi32, #tpu.memory_space<hbm>>, %arg5: memref<2x4992xi32, #tpu.memory_space<vmem>>, %arg6: memref<2x4992xi32, #tpu.memory_space<vmem>>, %arg7: memref<2x128xi32, #tpu.memory_space<vmem>>, %arg8: memref<64xi32, #tpu.memory_space<vmem>>, %arg9: memref<7x112xi32, #tpu.memory_space<vmem>>, %arg10: memref<784x128xi32, #tpu.memory_space<vmem>>, %arg11: memref<784x128xi32, #tpu.memory_space<vmem_shared>>, %arg12: memref<!tpu.dma_semaphore, #tpu.memory_space<semaphore_mem>>, %arg13: memref<!tpu.dma_semaphore, #tpu.memory_space<semaphore_mem>>) attributes {dimension_semantics = [#tpu.dimension_semantics<core_parallel>, #tpu.dimension_semantics<subcore_parallel>], iteration_bounds = array<i64: 2, 16>, scalar_prefetch = 0 : i64, scratch_operands = 9 : i64, tpu.core_type = #tpu.core_type<sc_vector_subcore>, window_params = [{transform_indices = #map}, {transform_indices = #map1}, {transform_indices = #map2}]} {
    %mul3A = arith.constant 16 : i32
    %mul3A_0 = arith.muli %arg0, %mul3A : i32
    %add3A = arith.addi %mul3A_0, %arg1 : i32
    %broadcast_in_dim3A = arith.constant 1 : i32
    %broadcast_in_dim3A_1 = vector.broadcast %broadcast_in_dim3A : i32 to vector<16xi32>
    %broadcast_in_dim3A_2 = arith.constant 0 : i32
    %broadcast_in_dim3A_3 = vector.broadcast %broadcast_in_dim3A_2 : i32 to vector<16xi32>
    %iota3A = tpu.iota {dimensions = array<i32: 0>} : vector<16xi32>
    %mul3A_4 = arith.constant 781 : i32
    %mul3A_5 = arith.muli %add3A, %mul3A_4 : i32
    %min3A = arith.constant 8 : i32
    %min3A_6 = arith.minsi %add3A, %min3A : i32
    %add3A_7 = arith.addi %mul3A_5, %min3A_6 : i32
    %lt3A = arith.constant 8 : i32
    %lt3A_8 = arith.cmpi slt, %add3A, %lt3A : i32
    %jit3A = arith.constant 1 : i32
    %jit3A_9 = arith.constant 0 : i32
    %select_n3A = arith.select %lt3A_8, %jit3A, %jit3A_9 : i32
    %add3A_10 = arith.constant 1 : i32
    %add3A_11 = arith.addi %add3A_10, %select_n3A : i32
    %add3A_12 = arith.constant 0 : i32
    %add3A_13 = arith.addi %add3A_7, %add3A_12 : i32
    %mul3A_14 = arith.constant 128 : i32
    %mul3A_15 = arith.muli %add3A_13, %mul3A_14 : i32
    %dma_start3A = arith.constant 0 : i32
    %dma_start3A_16 = tpu.memref_slice %arg2[%dma_start3A, %mul3A_15] : memref<2x3200000xi32, #tpu.memory_space<hbm>> -> memref<2x4992xi32, #tpu.memory_space<hbm>>
    %dma_start3A_17 = arith.constant 0 : i32
    %dma_start3A_18 = tpu.memref_slice %arg2[%dma_start3A_17, %mul3A_15] : memref<2x3200000xi32, #tpu.memory_space<hbm>> -> memref<2x4992xi32, #tpu.memory_space<hbm>>
    tpu.enqueue_dma source(%dma_start3A_18 : memref<2x4992xi32, #tpu.memory_space<hbm>>) target(%arg5 : memref<2x4992xi32, #tpu.memory_space<vmem>>) target_semaphore(%arg12 : memref<!tpu.dma_semaphore, #tpu.memory_space<semaphore_mem>>)
    %add3A_19 = arith.constant 39 : i32
    %add3A_20 = arith.addi %add3A_7, %add3A_19 : i32
    %mul3A_21 = arith.constant 128 : i32
    %mul3A_22 = arith.muli %add3A_20, %mul3A_21 : i32
    %dma_start3A_23 = arith.constant 0 : i32
    %dma_start3A_24 = tpu.memref_slice %arg2[%dma_start3A_23, %mul3A_22] : memref<2x3200000xi32, #tpu.memory_space<hbm>> -> memref<2x4992xi32, #tpu.memory_space<hbm>>
    %dma_start3A_25 = arith.constant 0 : i32
    %dma_start3A_26 = tpu.memref_slice %arg2[%dma_start3A_25, %mul3A_22] : memref<2x3200000xi32, #tpu.memory_space<hbm>> -> memref<2x4992xi32, #tpu.memory_space<hbm>>
    tpu.enqueue_dma source(%dma_start3A_26 : memref<2x4992xi32, #tpu.memory_space<hbm>>) target(%arg6 : memref<2x4992xi32, #tpu.memory_space<vmem>>) target_semaphore(%arg13 : memref<!tpu.dma_semaphore, #tpu.memory_space<semaphore_mem>>)
    %parallel_loop3A = arith.constant 0 : i32
    %parallel_loop3A_27 = arith.constant 784 : i32
    %parallel_loop3A_28 = arith.constant 1 : i32
    scf.for %parallel_loop3A_482 = %parallel_loop3A to %parallel_loop3A_27 step %parallel_loop3A_28  : i32 {
      %parallel_loop3A_483 = arith.index_cast %parallel_loop3A_482 : i32 to index
      %parallel_loop3A_484 = arith.constant 0 : index
      %parallel_loop3A_485 = tpu.vector_load %arg10[%parallel_loop3A_483, %parallel_loop3A_484] {strides = array<i32>} : memref<784x128xi32, #tpu.memory_space<vmem>>, vector<16xi32>,
      tpu.vector_store %arg10[%parallel_loop3A_483, %parallel_loop3A_484], %broadcast_in_dim3A_3 {strides = array<i32>} : memref<784x128xi32, #tpu.memory_space<vmem>>, vector<16xi32>,
      %parallel_loop3A_486 = arith.index_cast %parallel_loop3A_482 : i32 to index
      %parallel_loop3A_487 = arith.constant 16 : index
      %parallel_loop3A_488 = tpu.vector_load %arg10[%parallel_loop3A_486, %parallel_loop3A_487] {strides = array<i32>} : memref<784x128xi32, #tpu.memory_space<vmem>>, vector<16xi32>,
      tpu.vector_store %arg10[%parallel_loop3A_486, %parallel_loop3A_487], %broadcast_in_dim3A_3 {strides = array<i32>} : memref<784x128xi32, #tpu.memory_space<vmem>>, vector<16xi32>,
      %parallel_loop3A_489 = arith.index_cast %parallel_loop3A_482 : i32 to index
      %parallel_loop3A_490 = arith.constant 32 : index
      %parallel_loop3A_491 = tpu.vector_load %arg10[%parallel_loop3A_489, %parallel_loop3A_490] {strides = array<i32>} : memref<784x128xi32, #tpu.memory_space<vmem>>, vector<16xi32>,
      tpu.vector_store %arg10[%parallel_loop3A_489, %parallel_loop3A_490], %broadcast_in_dim3A_3 {strides = array<i32>} : memref<784x128xi32, #tpu.memory_space<vmem>>, vector<16xi32>,
      %parallel_loop3A_492 = arith.index_cast %parallel_loop3A_482 : i32 to index
      %parallel_loop3A_493 = arith.constant 48 : index
      %parallel_loop3A_494 = tpu.vector_load %arg10[%parallel_loop3A_492, %parallel_loop3A_493] {strides = array<i32>} : memref<784x128xi32, #tpu.memory_space<vmem>>, vector<16xi32>,
      tpu.vector_store %arg10[%parallel_loop3A_492, %parallel_loop3A_493], %broadcast_in_dim3A_3 {strides = array<i32>} : memref<784x128xi32, #tpu.memory_space<vmem>>, vector<16xi32>,
      %parallel_loop3A_495 = arith.index_cast %parallel_loop3A_482 : i32 to index
      %parallel_loop3A_496 = arith.constant 64 : index
      %parallel_loop3A_497 = tpu.vector_load %arg10[%parallel_loop3A_495, %parallel_loop3A_496] {strides = array<i32>} : memref<784x128xi32, #tpu.memory_space<vmem>>, vector<16xi32>,
      tpu.vector_store %arg10[%parallel_loop3A_495, %parallel_loop3A_496], %broadcast_in_dim3A_3 {strides = array<i32>} : memref<784x128xi32, #tpu.memory_space<vmem>>, vector<16xi32>,
      %parallel_loop3A_498 = arith.index_cast %parallel_loop3A_482 : i32 to index
      %parallel_loop3A_499 = arith.constant 80 : index
      %parallel_loop3A_500 = tpu.vector_load %arg10[%parallel_loop3A_498, %parallel_loop3A_499] {strides = array<i32>} : memref<784x128xi32, #tpu.memory_space<vmem>>, vector<16xi32>,
      tpu.vector_store %arg10[%parallel_loop3A_498, %parallel_loop3A_499], %broadcast_in_dim3A_3 {strides = array<i32>} : memref<784x128xi32, #tpu.memory_space<vmem>>, vector<16xi32>,
      %parallel_loop3A_501 = arith.index_cast %parallel_loop3A_482 : i32 to index
      %parallel_loop3A_502 = arith.constant 96 : index
      %parallel_loop3A_503 = tpu.vector_load %arg10[%parallel_loop3A_501, %parallel_loop3A_502] {strides = array<i32>} : memref<784x128xi32, #tpu.memory_space<vmem>>, vector<16xi32>,
      tpu.vector_store %arg10[%parallel_loop3A_501, %parallel_loop3A_502], %broadcast_in_dim3A_3 {strides = array<i32>} : memref<784x128xi32, #tpu.memory_space<vmem>>, vector<16xi32>,
      %parallel_loop3A_504 = arith.index_cast %parallel_loop3A_482 : i32 to index
      %parallel_loop3A_505 = arith.constant 112 : index
      %parallel_loop3A_506 = tpu.vector_load %arg10[%parallel_loop3A_504, %parallel_loop3A_505] {strides = array<i32>} : memref<784x128xi32, #tpu.memory_space<vmem>>, vector<16xi32>,
      tpu.vector_store %arg10[%parallel_loop3A_504, %parallel_loop3A_505], %broadcast_in_dim3A_3 {strides = array<i32>} : memref<784x128xi32, #tpu.memory_space<vmem>>, vector<16xi32>,
    } {sc.loop_unroll_factor = 8 : i64, sc.parallel_access}
    %add3A_29 = arith.constant 0 : i32
    %add3A_30 = vector.broadcast %add3A_29 : i32 to vector<16xi32>
    %add3A_31 = arith.addi %iota3A, %add3A_30 : vector<16xi32>
    %swap3A = arith.constant 0 : i32
    %swap3A_32 = arith.index_cast %swap3A : i32 to index
    %swap3A_33 = arith.constant 0 : index
    %swap3A_34 = tpu.vector_load %arg9[%swap3A_32, %swap3A_33] {strides = array<i32>} : memref<7x112xi32, #tpu.memory_space<vmem>>, vector<16xi32>,
    tpu.vector_store %arg9[%swap3A_32, %swap3A_33], %add3A_31 {strides = array<i32>} : memref<7x112xi32, #tpu.memory_space<vmem>>, vector<16xi32>,
    %add3A_35 = arith.constant 16 : i32
    %add3A_36 = vector.broadcast %add3A_35 : i32 to vector<16xi32>
    %add3A_37 = arith.addi %iota3A, %add3A_36 : vector<16xi32>
    %swap3A_38 = arith.constant 0 : i32
    %swap3A_39 = arith.index_cast %swap3A_38 : i32 to index
    %swap3A_40 = arith.constant 16 : index
    %swap3A_41 = tpu.vector_load %arg9[%swap3A_39, %swap3A_40] {strides = array<i32>} : memref<7x112xi32, #tpu.memory_space<vmem>>, vector<16xi32>,
    tpu.vector_store %arg9[%swap3A_39, %swap3A_40], %add3A_37 {strides = array<i32>} : memref<7x112xi32, #tpu.memory_space<vmem>>, vector<16xi32>,
    %add3A_42 = arith.constant 32 : i32
    %add3A_43 = vector.broadcast %add3A_42 : i32 to vector<16xi32>
    %add3A_44 = arith.addi %iota3A, %add3A_43 : vector<16xi32>
    %swap3A_45 = arith.constant 0 : i32
    %swap3A_46 = arith.index_cast %swap3A_45 : i32 to index
    %swap3A_47 = arith.constant 32 : index
    %swap3A_48 = tpu.vector_load %arg9[%swap3A_46, %swap3A_47] {strides = array<i32>} : memref<7x112xi32, #tpu.memory_space<vmem>>, vector<16xi32>,
    tpu.vector_store %arg9[%swap3A_46, %swap3A_47], %add3A_44 {strides = array<i32>} : memref<7x112xi32, #tpu.memory_space<vmem>>, vector<16xi32>,
    %add3A_49 = arith.constant 48 : i32
    %add3A_50 = vector.broadcast %add3A_49 : i32 to vector<16xi32>
    %add3A_51 = arith.addi %iota3A, %add3A_50 : vector<16xi32>
    %swap3A_52 = arith.constant 0 : i32
    %swap3A_53 = arith.index_cast %swap3A_52 : i32 to index
    %swap3A_54 = arith.constant 48 : index
    %swap3A_55 = tpu.vector_load %arg9[%swap3A_53, %swap3A_54] {strides = array<i32>} : memref<7x112xi32, #tpu.memory_space<vmem>>, vector<16xi32>,
    tpu.vector_store %arg9[%swap3A_53, %swap3A_54], %add3A_51 {strides = array<i32>} : memref<7x112xi32, #tpu.memory_space<vmem>>, vector<16xi32>,
    %add3A_56 = arith.constant 64 : i32
    %add3A_57 = vector.broadcast %add3A_56 : i32 to vector<16xi32>
    %add3A_58 = arith.addi %iota3A, %add3A_57 : vector<16xi32>
    %swap3A_59 = arith.constant 0 : i32
    %swap3A_60 = arith.index_cast %swap3A_59 : i32 to index
    %swap3A_61 = arith.constant 64 : index
    %swap3A_62 = tpu.vector_load %arg9[%swap3A_60, %swap3A_61] {strides = array<i32>} : memref<7x112xi32, #tpu.memory_space<vmem>>, vector<16xi32>,
    tpu.vector_store %arg9[%swap3A_60, %swap3A_61], %add3A_58 {strides = array<i32>} : memref<7x112xi32, #tpu.memory_space<vmem>>, vector<16xi32>,
    %add3A_63 = arith.constant 80 : i32
    %add3A_64 = vector.broadcast %add3A_63 : i32 to vector<16xi32>
    %add3A_65 = arith.addi %iota3A, %add3A_64 : vector<16xi32>
    %swap3A_66 = arith.constant 0 : i32
    %swap3A_67 = arith.index_cast %swap3A_66 : i32 to index
    %swap3A_68 = arith.constant 80 : index
    %swap3A_69 = tpu.vector_load %arg9[%swap3A_67, %swap3A_68] {strides = array<i32>} : memref<7x112xi32, #tpu.memory_space<vmem>>, vector<16xi32>,
    tpu.vector_store %arg9[%swap3A_67, %swap3A_68], %add3A_65 {strides = array<i32>} : memref<7x112xi32, #tpu.memory_space<vmem>>, vector<16xi32>,
    %add3A_70 = arith.constant 96 : i32
    %add3A_71 = vector.broadcast %add3A_70 : i32 to vector<16xi32>
    %add3A_72 = arith.addi %iota3A, %add3A_71 : vector<16xi32>
    %swap3A_73 = arith.constant 0 : i32
    %swap3A_74 = arith.index_cast %swap3A_73 : i32 to index
    %swap3A_75 = arith.constant 96 : index
    %swap3A_76 = tpu.vector_load %arg9[%swap3A_74, %swap3A_75] {strides = array<i32>} : memref<7x112xi32, #tpu.memory_space<vmem>>, vector<16xi32>,
    tpu.vector_store %arg9[%swap3A_74, %swap3A_75], %add3A_72 {strides = array<i32>} : memref<7x112xi32, #tpu.memory_space<vmem>>, vector<16xi32>,
    %add3A_77 = arith.constant 112 : i32
    %add3A_78 = vector.broadcast %add3A_77 : i32 to vector<16xi32>
    %add3A_79 = arith.addi %iota3A, %add3A_78 : vector<16xi32>
    %swap3A_80 = arith.constant 1 : i32
    %swap3A_81 = arith.index_cast %swap3A_80 : i32 to index
    %swap3A_82 = arith.constant 0 : index
    %swap3A_83 = tpu.vector_load %arg9[%swap3A_81, %swap3A_82] {strides = array<i32>} : memref<7x112xi32, #tpu.memory_space<vmem>>, vector<16xi32>,
    tpu.vector_store %arg9[%swap3A_81, %swap3A_82], %add3A_79 {strides = array<i32>} : memref<7x112xi32, #tpu.memory_space<vmem>>, vector<16xi32>,
    %add3A_84 = arith.constant 128 : i32
    %add3A_85 = vector.broadcast %add3A_84 : i32 to vector<16xi32>
    %add3A_86 = arith.addi %iota3A, %add3A_85 : vector<16xi32>
    %swap3A_87 = arith.constant 1 : i32
    %swap3A_88 = arith.index_cast %swap3A_87 : i32 to index
    %swap3A_89 = arith.constant 16 : index
    %swap3A_90 = tpu.vector_load %arg9[%swap3A_88, %swap3A_89] {strides = array<i32>} : memref<7x112xi32, #tpu.memory_space<vmem>>, vector<16xi32>,
    tpu.vector_store %arg9[%swap3A_88, %swap3A_89], %add3A_86 {strides = array<i32>} : memref<7x112xi32, #tpu.memory_space<vmem>>, vector<16xi32>,
    %add3A_91 = arith.constant 144 : i32
    %add3A_92 = vector.broadcast %add3A_91 : i32 to vector<16xi32>
    %add3A_93 = arith.addi %iota3A, %add3A_92 : vector<16xi32>
    %swap3A_94 = arith.constant 1 : i32
    %swap3A_95 = arith.index_cast %swap3A_94 : i32 to index
    %swap3A_96 = arith.constant 32 : index
    %swap3A_97 = tpu.vector_load %arg9[%swap3A_95, %swap3A_96] {strides = array<i32>} : memref<7x112xi32, #tpu.memory_space<vmem>>, vector<16xi32>,
    tpu.vector_store %arg9[%swap3A_95, %swap3A_96], %add3A_93 {strides = array<i32>} : memref<7x112xi32, #tpu.memory_space<vmem>>, vector<16xi32>,
    %add3A_98 = arith.constant 160 : i32
    %add3A_99 = vector.broadcast %add3A_98 : i32 to vector<16xi32>
    %add3A_100 = arith.addi %iota3A, %add3A_99 : vector<16xi32>
    %swap3A_101 = arith.constant 1 : i32
    %swap3A_102 = arith.index_cast %swap3A_101 : i32 to index
    %swap3A_103 = arith.constant 48 : index
    %swap3A_104 = tpu.vector_load %arg9[%swap3A_102, %swap3A_103] {strides = array<i32>} : memref<7x112xi32, #tpu.memory_space<vmem>>, vector<16xi32>,
    tpu.vector_store %arg9[%swap3A_102, %swap3A_103], %add3A_100 {strides = array<i32>} : memref<7x112xi32, #tpu.memory_space<vmem>>, vector<16xi32>,
    %add3A_105 = arith.constant 176 : i32
    %add3A_106 = vector.broadcast %add3A_105 : i32 to vector<16xi32>
    %add3A_107 = arith.addi %iota3A, %add3A_106 : vector<16xi32>
    %swap3A_108 = arith.constant 1 : i32
    %swap3A_109 = arith.index_cast %swap3A_108 : i32 to index
    %swap3A_110 = arith.constant 64 : index
    %swap3A_111 = tpu.vector_load %arg9[%swap3A_109, %swap3A_110] {strides = array<i32>} : memref<7x112xi32, #tpu.memory_space<vmem>>, vector<16xi32>,
    tpu.vector_store %arg9[%swap3A_109, %swap3A_110], %add3A_107 {strides = array<i32>} : memref<7x112xi32, #tpu.memory_space<vmem>>, vector<16xi32>,
    %add3A_112 = arith.constant 192 : i32
    %add3A_113 = vector.broadcast %add3A_112 : i32 to vector<16xi32>
    %add3A_114 = arith.addi %iota3A, %add3A_113 : vector<16xi32>
    %swap3A_115 = arith.constant 1 : i32
    %swap3A_116 = arith.index_cast %swap3A_115 : i32 to index
    %swap3A_117 = arith.constant 80 : index
    %swap3A_118 = tpu.vector_load %arg9[%swap3A_116, %swap3A_117] {strides = array<i32>} : memref<7x112xi32, #tpu.memory_space<vmem>>, vector<16xi32>,
    tpu.vector_store %arg9[%swap3A_116, %swap3A_117], %add3A_114 {strides = array<i32>} : memref<7x112xi32, #tpu.memory_space<vmem>>, vector<16xi32>,
    %add3A_119 = arith.constant 208 : i32
    %add3A_120 = vector.broadcast %add3A_119 : i32 to vector<16xi32>
    %add3A_121 = arith.addi %iota3A, %add3A_120 : vector<16xi32>
    %swap3A_122 = arith.constant 1 : i32
    %swap3A_123 = arith.index_cast %swap3A_122 : i32 to index
    %swap3A_124 = arith.constant 96 : index
    %swap3A_125 = tpu.vector_load %arg9[%swap3A_123, %swap3A_124] {strides = array<i32>} : memref<7x112xi32, #tpu.memory_space<vmem>>, vector<16xi32>,
    tpu.vector_store %arg9[%swap3A_123, %swap3A_124], %add3A_121 {strides = array<i32>} : memref<7x112xi32, #tpu.memory_space<vmem>>, vector<16xi32>,
    %add3A_126 = arith.constant 224 : i32
    %add3A_127 = vector.broadcast %add3A_126 : i32 to vector<16xi32>
    %add3A_128 = arith.addi %iota3A, %add3A_127 : vector<16xi32>
    %swap3A_129 = arith.constant 2 : i32
    %swap3A_130 = arith.index_cast %swap3A_129 : i32 to index
    %swap3A_131 = arith.constant 0 : index
    %swap3A_132 = tpu.vector_load %arg9[%swap3A_130, %swap3A_131] {strides = array<i32>} : memref<7x112xi32, #tpu.memory_space<vmem>>, vector<16xi32>,
    tpu.vector_store %arg9[%swap3A_130, %swap3A_131], %add3A_128 {strides = array<i32>} : memref<7x112xi32, #tpu.memory_space<vmem>>, vector<16xi32>,
    %add3A_133 = arith.constant 240 : i32
    %add3A_134 = vector.broadcast %add3A_133 : i32 to vector<16xi32>
    %add3A_135 = arith.addi %iota3A, %add3A_134 : vector<16xi32>
    %swap3A_136 = arith.constant 2 : i32
    %swap3A_137 = arith.index_cast %swap3A_136 : i32 to index
    %swap3A_138 = arith.constant 16 : index
    %swap3A_139 = tpu.vector_load %arg9[%swap3A_137, %swap3A_138] {strides = array<i32>} : memref<7x112xi32, #tpu.memory_space<vmem>>, vector<16xi32>,
    tpu.vector_store %arg9[%swap3A_137, %swap3A_138], %add3A_135 {strides = array<i32>} : memref<7x112xi32, #tpu.memory_space<vmem>>, vector<16xi32>,
    %add3A_140 = arith.constant 256 : i32
    %add3A_141 = vector.broadcast %add3A_140 : i32 to vector<16xi32>
    %add3A_142 = arith.addi %iota3A, %add3A_141 : vector<16xi32>
    %swap3A_143 = arith.constant 2 : i32
    %swap3A_144 = arith.index_cast %swap3A_143 : i32 to index
    %swap3A_145 = arith.constant 32 : index
    %swap3A_146 = tpu.vector_load %arg9[%swap3A_144, %swap3A_145] {strides = array<i32>} : memref<7x112xi32, #tpu.memory_space<vmem>>, vector<16xi32>,
    tpu.vector_store %arg9[%swap3A_144, %swap3A_145], %add3A_142 {strides = array<i32>} : memref<7x112xi32, #tpu.memory_space<vmem>>, vector<16xi32>,
    %add3A_147 = arith.constant 272 : i32
    %add3A_148 = vector.broadcast %add3A_147 : i32 to vector<16xi32>
    %add3A_149 = arith.addi %iota3A, %add3A_148 : vector<16xi32>
    %swap3A_150 = arith.constant 2 : i32
    %swap3A_151 = arith.index_cast %swap3A_150 : i32 to index
    %swap3A_152 = arith.constant 48 : index
    %swap3A_153 = tpu.vector_load %arg9[%swap3A_151, %swap3A_152] {strides = array<i32>} : memref<7x112xi32, #tpu.memory_space<vmem>>, vector<16xi32>,
    tpu.vector_store %arg9[%swap3A_151, %swap3A_152], %add3A_149 {strides = array<i32>} : memref<7x112xi32, #tpu.memory_space<vmem>>, vector<16xi32>,
    %add3A_154 = arith.constant 288 : i32
    %add3A_155 = vector.broadcast %add3A_154 : i32 to vector<16xi32>
    %add3A_156 = arith.addi %iota3A, %add3A_155 : vector<16xi32>
    %swap3A_157 = arith.constant 2 : i32
    %swap3A_158 = arith.index_cast %swap3A_157 : i32 to index
    %swap3A_159 = arith.constant 64 : index
    %swap3A_160 = tpu.vector_load %arg9[%swap3A_158, %swap3A_159] {strides = array<i32>} : memref<7x112xi32, #tpu.memory_space<vmem>>, vector<16xi32>,
    tpu.vector_store %arg9[%swap3A_158, %swap3A_159], %add3A_156 {strides = array<i32>} : memref<7x112xi32, #tpu.memory_space<vmem>>, vector<16xi32>,
    %add3A_161 = arith.constant 304 : i32
    %add3A_162 = vector.broadcast %add3A_161 : i32 to vector<16xi32>
    %add3A_163 = arith.addi %iota3A, %add3A_162 : vector<16xi32>
    %swap3A_164 = arith.constant 2 : i32
    %swap3A_165 = arith.index_cast %swap3A_164 : i32 to index
    %swap3A_166 = arith.constant 80 : index
    %swap3A_167 = tpu.vector_load %arg9[%swap3A_165, %swap3A_166] {strides = array<i32>} : memref<7x112xi32, #tpu.memory_space<vmem>>, vector<16xi32>,
    tpu.vector_store %arg9[%swap3A_165, %swap3A_166], %add3A_163 {strides = array<i32>} : memref<7x112xi32, #tpu.memory_space<vmem>>, vector<16xi32>,
    %add3A_168 = arith.constant 320 : i32
    %add3A_169 = vector.broadcast %add3A_168 : i32 to vector<16xi32>
    %add3A_170 = arith.addi %iota3A, %add3A_169 : vector<16xi32>
    %swap3A_171 = arith.constant 2 : i32
    %swap3A_172 = arith.index_cast %swap3A_171 : i32 to index
    %swap3A_173 = arith.constant 96 : index
    %swap3A_174 = tpu.vector_load %arg9[%swap3A_172, %swap3A_173] {strides = array<i32>} : memref<7x112xi32, #tpu.memory_space<vmem>>, vector<16xi32>,
    tpu.vector_store %arg9[%swap3A_172, %swap3A_173], %add3A_170 {strides = array<i32>} : memref<7x112xi32, #tpu.memory_space<vmem>>, vector<16xi32>,
    %add3A_175 = arith.constant 336 : i32
    %add3A_176 = vector.broadcast %add3A_175 : i32 to vector<16xi32>
    %add3A_177 = arith.addi %iota3A, %add3A_176 : vector<16xi32>
    %swap3A_178 = arith.constant 3 : i32
    %swap3A_179 = arith.index_cast %swap3A_178 : i32 to index
    %swap3A_180 = arith.constant 0 : index
    %swap3A_181 = tpu.vector_load %arg9[%swap3A_179, %swap3A_180] {strides = array<i32>} : memref<7x112xi32, #tpu.memory_space<vmem>>, vector<16xi32>,
    tpu.vector_store %arg9[%swap3A_179, %swap3A_180], %add3A_177 {strides = array<i32>} : memref<7x112xi32, #tpu.memory_space<vmem>>, vector<16xi32>,
    %add3A_182 = arith.constant 352 : i32
    %add3A_183 = vector.broadcast %add3A_182 : i32 to vector<16xi32>
    %add3A_184 = arith.addi %iota3A, %add3A_183 : vector<16xi32>
    %swap3A_185 = arith.constant 3 : i32
    %swap3A_186 = arith.index_cast %swap3A_185 : i32 to index
    %swap3A_187 = arith.constant 16 : index
    %swap3A_188 = tpu.vector_load %arg9[%swap3A_186, %swap3A_187] {strides = array<i32>} : memref<7x112xi32, #tpu.memory_space<vmem>>, vector<16xi32>,
    tpu.vector_store %arg9[%swap3A_186, %swap3A_187], %add3A_184 {strides = array<i32>} : memref<7x112xi32, #tpu.memory_space<vmem>>, vector<16xi32>,
    %add3A_189 = arith.constant 368 : i32
    %add3A_190 = vector.broadcast %add3A_189 : i32 to vector<16xi32>
    %add3A_191 = arith.addi %iota3A, %add3A_190 : vector<16xi32>
    %swap3A_192 = arith.constant 3 : i32
    %swap3A_193 = arith.index_cast %swap3A_192 : i32 to index
    %swap3A_194 = arith.constant 32 : index
    %swap3A_195 = tpu.vector_load %arg9[%swap3A_193, %swap3A_194] {strides = array<i32>} : memref<7x112xi32, #tpu.memory_space<vmem>>, vector<16xi32>,
    tpu.vector_store %arg9[%swap3A_193, %swap3A_194], %add3A_191 {strides = array<i32>} : memref<7x112xi32, #tpu.memory_space<vmem>>, vector<16xi32>,
    %add3A_196 = arith.constant 384 : i32
    %add3A_197 = vector.broadcast %add3A_196 : i32 to vector<16xi32>
    %add3A_198 = arith.addi %iota3A, %add3A_197 : vector<16xi32>
    %swap3A_199 = arith.constant 3 : i32
    %swap3A_200 = arith.index_cast %swap3A_199 : i32 to index
    %swap3A_201 = arith.constant 48 : index
    %swap3A_202 = tpu.vector_load %arg9[%swap3A_200, %swap3A_201] {strides = array<i32>} : memref<7x112xi32, #tpu.memory_space<vmem>>, vector<16xi32>,
    tpu.vector_store %arg9[%swap3A_200, %swap3A_201], %add3A_198 {strides = array<i32>} : memref<7x112xi32, #tpu.memory_space<vmem>>, vector<16xi32>,
    %add3A_203 = arith.constant 400 : i32
    %add3A_204 = vector.broadcast %add3A_203 : i32 to vector<16xi32>
    %add3A_205 = arith.addi %iota3A, %add3A_204 : vector<16xi32>
    %swap3A_206 = arith.constant 3 : i32
    %swap3A_207 = arith.index_cast %swap3A_206 : i32 to index
    %swap3A_208 = arith.constant 64 : index
    %swap3A_209 = tpu.vector_load %arg9[%swap3A_207, %swap3A_208] {strides = array<i32>} : memref<7x112xi32, #tpu.memory_space<vmem>>, vector<16xi32>,
    tpu.vector_store %arg9[%swap3A_207, %swap3A_208], %add3A_205 {strides = array<i32>} : memref<7x112xi32, #tpu.memory_space<vmem>>, vector<16xi32>,
    %add3A_210 = arith.constant 416 : i32
    %add3A_211 = vector.broadcast %add3A_210 : i32 to vector<16xi32>
    %add3A_212 = arith.addi %iota3A, %add3A_211 : vector<16xi32>
    %swap3A_213 = arith.constant 3 : i32
    %swap3A_214 = arith.index_cast %swap3A_213 : i32 to index
    %swap3A_215 = arith.constant 80 : index
    %swap3A_216 = tpu.vector_load %arg9[%swap3A_214, %swap3A_215] {strides = array<i32>} : memref<7x112xi32, #tpu.memory_space<vmem>>, vector<16xi32>,
    tpu.vector_store %arg9[%swap3A_214, %swap3A_215], %add3A_212 {strides = array<i32>} : memref<7x112xi32, #tpu.memory_space<vmem>>, vector<16xi32>,
    %add3A_217 = arith.constant 432 : i32
    %add3A_218 = vector.broadcast %add3A_217 : i32 to vector<16xi32>
    %add3A_219 = arith.addi %iota3A, %add3A_218 : vector<16xi32>
    %swap3A_220 = arith.constant 3 : i32
    %swap3A_221 = arith.index_cast %swap3A_220 : i32 to index
    %swap3A_222 = arith.constant 96 : index
    %swap3A_223 = tpu.vector_load %arg9[%swap3A_221, %swap3A_222] {strides = array<i32>} : memref<7x112xi32, #tpu.memory_space<vmem>>, vector<16xi32>,
    tpu.vector_store %arg9[%swap3A_221, %swap3A_222], %add3A_219 {strides = array<i32>} : memref<7x112xi32, #tpu.memory_space<vmem>>, vector<16xi32>,
    %add3A_224 = arith.constant 448 : i32
    %add3A_225 = vector.broadcast %add3A_224 : i32 to vector<16xi32>
    %add3A_226 = arith.addi %iota3A, %add3A_225 : vector<16xi32>
    %swap3A_227 = arith.constant 4 : i32
    %swap3A_228 = arith.index_cast %swap3A_227 : i32 to index
    %swap3A_229 = arith.constant 0 : index
    %swap3A_230 = tpu.vector_load %arg9[%swap3A_228, %swap3A_229] {strides = array<i32>} : memref<7x112xi32, #tpu.memory_space<vmem>>, vector<16xi32>,
    tpu.vector_store %arg9[%swap3A_228, %swap3A_229], %add3A_226 {strides = array<i32>} : memref<7x112xi32, #tpu.memory_space<vmem>>, vector<16xi32>,
    %add3A_231 = arith.constant 464 : i32
    %add3A_232 = vector.broadcast %add3A_231 : i32 to vector<16xi32>
    %add3A_233 = arith.addi %iota3A, %add3A_232 : vector<16xi32>
    %swap3A_234 = arith.constant 4 : i32
    %swap3A_235 = arith.index_cast %swap3A_234 : i32 to index
    %swap3A_236 = arith.constant 16 : index
    %swap3A_237 = tpu.vector_load %arg9[%swap3A_235, %swap3A_236] {strides = array<i32>} : memref<7x112xi32, #tpu.memory_space<vmem>>, vector<16xi32>,
    tpu.vector_store %arg9[%swap3A_235, %swap3A_236], %add3A_233 {strides = array<i32>} : memref<7x112xi32, #tpu.memory_space<vmem>>, vector<16xi32>,
    %add3A_238 = arith.constant 480 : i32
    %add3A_239 = vector.broadcast %add3A_238 : i32 to vector<16xi32>
    %add3A_240 = arith.addi %iota3A, %add3A_239 : vector<16xi32>
    %swap3A_241 = arith.constant 4 : i32
    %swap3A_242 = arith.index_cast %swap3A_241 : i32 to index
    %swap3A_243 = arith.constant 32 : index
    %swap3A_244 = tpu.vector_load %arg9[%swap3A_242, %swap3A_243] {strides = array<i32>} : memref<7x112xi32, #tpu.memory_space<vmem>>, vector<16xi32>,
    tpu.vector_store %arg9[%swap3A_242, %swap3A_243], %add3A_240 {strides = array<i32>} : memref<7x112xi32, #tpu.memory_space<vmem>>, vector<16xi32>,
    %add3A_245 = arith.constant 496 : i32
    %add3A_246 = vector.broadcast %add3A_245 : i32 to vector<16xi32>
    %add3A_247 = arith.addi %iota3A, %add3A_246 : vector<16xi32>
    %swap3A_248 = arith.constant 4 : i32
    %swap3A_249 = arith.index_cast %swap3A_248 : i32 to index
    %swap3A_250 = arith.constant 48 : index
    %swap3A_251 = tpu.vector_load %arg9[%swap3A_249, %swap3A_250] {strides = array<i32>} : memref<7x112xi32, #tpu.memory_space<vmem>>, vector<16xi32>,
    tpu.vector_store %arg9[%swap3A_249, %swap3A_250], %add3A_247 {strides = array<i32>} : memref<7x112xi32, #tpu.memory_space<vmem>>, vector<16xi32>,
    %add3A_252 = arith.constant 512 : i32
    %add3A_253 = vector.broadcast %add3A_252 : i32 to vector<16xi32>
    %add3A_254 = arith.addi %iota3A, %add3A_253 : vector<16xi32>
    %swap3A_255 = arith.constant 4 : i32
    %swap3A_256 = arith.index_cast %swap3A_255 : i32 to index
    %swap3A_257 = arith.constant 64 : index
    %swap3A_258 = tpu.vector_load %arg9[%swap3A_256, %swap3A_257] {strides = array<i32>} : memref<7x112xi32, #tpu.memory_space<vmem>>, vector<16xi32>,
    tpu.vector_store %arg9[%swap3A_256, %swap3A_257], %add3A_254 {strides = array<i32>} : memref<7x112xi32, #tpu.memory_space<vmem>>, vector<16xi32>,
    %add3A_259 = arith.constant 528 : i32
    %add3A_260 = vector.broadcast %add3A_259 : i32 to vector<16xi32>
    %add3A_261 = arith.addi %iota3A, %add3A_260 : vector<16xi32>
    %swap3A_262 = arith.constant 4 : i32
    %swap3A_263 = arith.index_cast %swap3A_262 : i32 to index
    %swap3A_264 = arith.constant 80 : index
    %swap3A_265 = tpu.vector_load %arg9[%swap3A_263, %swap3A_264] {strides = array<i32>} : memref<7x112xi32, #tpu.memory_space<vmem>>, vector<16xi32>,
    tpu.vector_store %arg9[%swap3A_263, %swap3A_264], %add3A_261 {strides = array<i32>} : memref<7x112xi32, #tpu.memory_space<vmem>>, vector<16xi32>,
    %add3A_266 = arith.constant 544 : i32
    %add3A_267 = vector.broadcast %add3A_266 : i32 to vector<16xi32>
    %add3A_268 = arith.addi %iota3A, %add3A_267 : vector<16xi32>
    %swap3A_269 = arith.constant 4 : i32
    %swap3A_270 = arith.index_cast %swap3A_269 : i32 to index
    %swap3A_271 = arith.constant 96 : index
    %swap3A_272 = tpu.vector_load %arg9[%swap3A_270, %swap3A_271] {strides = array<i32>} : memref<7x112xi32, #tpu.memory_space<vmem>>, vector<16xi32>,
    tpu.vector_store %arg9[%swap3A_270, %swap3A_271], %add3A_268 {strides = array<i32>} : memref<7x112xi32, #tpu.memory_space<vmem>>, vector<16xi32>,
    %add3A_273 = arith.constant 560 : i32
    %add3A_274 = vector.broadcast %add3A_273 : i32 to vector<16xi32>
    %add3A_275 = arith.addi %iota3A, %add3A_274 : vector<16xi32>
    %swap3A_276 = arith.constant 5 : i32
    %swap3A_277 = arith.index_cast %swap3A_276 : i32 to index
    %swap3A_278 = arith.constant 0 : index
    %swap3A_279 = tpu.vector_load %arg9[%swap3A_277, %swap3A_278] {strides = array<i32>} : memref<7x112xi32, #tpu.memory_space<vmem>>, vector<16xi32>,
    tpu.vector_store %arg9[%swap3A_277, %swap3A_278], %add3A_275 {strides = array<i32>} : memref<7x112xi32, #tpu.memory_space<vmem>>, vector<16xi32>,
    %add3A_280 = arith.constant 576 : i32
    %add3A_281 = vector.broadcast %add3A_280 : i32 to vector<16xi32>
    %add3A_282 = arith.addi %iota3A, %add3A_281 : vector<16xi32>
    %swap3A_283 = arith.constant 5 : i32
    %swap3A_284 = arith.index_cast %swap3A_283 : i32 to index
    %swap3A_285 = arith.constant 16 : index
    %swap3A_286 = tpu.vector_load %arg9[%swap3A_284, %swap3A_285] {strides = array<i32>} : memref<7x112xi32, #tpu.memory_space<vmem>>, vector<16xi32>,
    tpu.vector_store %arg9[%swap3A_284, %swap3A_285], %add3A_282 {strides = array<i32>} : memref<7x112xi32, #tpu.memory_space<vmem>>, vector<16xi32>,
    %add3A_287 = arith.constant 592 : i32
    %add3A_288 = vector.broadcast %add3A_287 : i32 to vector<16xi32>
    %add3A_289 = arith.addi %iota3A, %add3A_288 : vector<16xi32>
    %swap3A_290 = arith.constant 5 : i32
    %swap3A_291 = arith.index_cast %swap3A_290 : i32 to index
    %swap3A_292 = arith.constant 32 : index
    %swap3A_293 = tpu.vector_load %arg9[%swap3A_291, %swap3A_292] {strides = array<i32>} : memref<7x112xi32, #tpu.memory_space<vmem>>, vector<16xi32>,
    tpu.vector_store %arg9[%swap3A_291, %swap3A_292], %add3A_289 {strides = array<i32>} : memref<7x112xi32, #tpu.memory_space<vmem>>, vector<16xi32>,
    %add3A_294 = arith.constant 608 : i32
    %add3A_295 = vector.broadcast %add3A_294 : i32 to vector<16xi32>
    %add3A_296 = arith.addi %iota3A, %add3A_295 : vector<16xi32>
    %swap3A_297 = arith.constant 5 : i32
    %swap3A_298 = arith.index_cast %swap3A_297 : i32 to index
    %swap3A_299 = arith.constant 48 : index
    %swap3A_300 = tpu.vector_load %arg9[%swap3A_298, %swap3A_299] {strides = array<i32>} : memref<7x112xi32, #tpu.memory_space<vmem>>, vector<16xi32>,
    tpu.vector_store %arg9[%swap3A_298, %swap3A_299], %add3A_296 {strides = array<i32>} : memref<7x112xi32, #tpu.memory_space<vmem>>, vector<16xi32>,
    %add3A_301 = arith.constant 624 : i32
    %add3A_302 = vector.broadcast %add3A_301 : i32 to vector<16xi32>
    %add3A_303 = arith.addi %iota3A, %add3A_302 : vector<16xi32>
    %swap3A_304 = arith.constant 5 : i32
    %swap3A_305 = arith.index_cast %swap3A_304 : i32 to index
    %swap3A_306 = arith.constant 64 : index
    %swap3A_307 = tpu.vector_load %arg9[%swap3A_305, %swap3A_306] {strides = array<i32>} : memref<7x112xi32, #tpu.memory_space<vmem>>, vector<16xi32>,
    tpu.vector_store %arg9[%swap3A_305, %swap3A_306], %add3A_303 {strides = array<i32>} : memref<7x112xi32, #tpu.memory_space<vmem>>, vector<16xi32>,
    %add3A_308 = arith.constant 640 : i32
    %add3A_309 = vector.broadcast %add3A_308 : i32 to vector<16xi32>
    %add3A_310 = arith.addi %iota3A, %add3A_309 : vector<16xi32>
    %swap3A_311 = arith.constant 5 : i32
    %swap3A_312 = arith.index_cast %swap3A_311 : i32 to index
    %swap3A_313 = arith.constant 80 : index
    %swap3A_314 = tpu.vector_load %arg9[%swap3A_312, %swap3A_313] {strides = array<i32>} : memref<7x112xi32, #tpu.memory_space<vmem>>, vector<16xi32>,
    tpu.vector_store %arg9[%swap3A_312, %swap3A_313], %add3A_310 {strides = array<i32>} : memref<7x112xi32, #tpu.memory_space<vmem>>, vector<16xi32>,
    %add3A_315 = arith.constant 656 : i32
    %add3A_316 = vector.broadcast %add3A_315 : i32 to vector<16xi32>
    %add3A_317 = arith.addi %iota3A, %add3A_316 : vector<16xi32>
    %swap3A_318 = arith.constant 5 : i32
    %swap3A_319 = arith.index_cast %swap3A_318 : i32 to index
    %swap3A_320 = arith.constant 96 : index
    %swap3A_321 = tpu.vector_load %arg9[%swap3A_319, %swap3A_320] {strides = array<i32>} : memref<7x112xi32, #tpu.memory_space<vmem>>, vector<16xi32>,
    tpu.vector_store %arg9[%swap3A_319, %swap3A_320], %add3A_317 {strides = array<i32>} : memref<7x112xi32, #tpu.memory_space<vmem>>, vector<16xi32>,
    %add3A_322 = arith.constant 672 : i32
    %add3A_323 = vector.broadcast %add3A_322 : i32 to vector<16xi32>
    %add3A_324 = arith.addi %iota3A, %add3A_323 : vector<16xi32>
    %swap3A_325 = arith.constant 6 : i32
    %swap3A_326 = arith.index_cast %swap3A_325 : i32 to index
    %swap3A_327 = arith.constant 0 : index
    %swap3A_328 = tpu.vector_load %arg9[%swap3A_326, %swap3A_327] {strides = array<i32>} : memref<7x112xi32, #tpu.memory_space<vmem>>, vector<16xi32>,
    tpu.vector_store %arg9[%swap3A_326, %swap3A_327], %add3A_324 {strides = array<i32>} : memref<7x112xi32, #tpu.memory_space<vmem>>, vector<16xi32>,
    %add3A_329 = arith.constant 688 : i32
    %add3A_330 = vector.broadcast %add3A_329 : i32 to vector<16xi32>
    %add3A_331 = arith.addi %iota3A, %add3A_330 : vector<16xi32>
    %swap3A_332 = arith.constant 6 : i32
    %swap3A_333 = arith.index_cast %swap3A_332 : i32 to index
    %swap3A_334 = arith.constant 16 : index
    %swap3A_335 = tpu.vector_load %arg9[%swap3A_333, %swap3A_334] {strides = array<i32>} : memref<7x112xi32, #tpu.memory_space<vmem>>, vector<16xi32>,
    tpu.vector_store %arg9[%swap3A_333, %swap3A_334], %add3A_331 {strides = array<i32>} : memref<7x112xi32, #tpu.memory_space<vmem>>, vector<16xi32>,
    %add3A_336 = arith.constant 704 : i32
    %add3A_337 = vector.broadcast %add3A_336 : i32 to vector<16xi32>
    %add3A_338 = arith.addi %iota3A, %add3A_337 : vector<16xi32>
    %swap3A_339 = arith.constant 6 : i32
    %swap3A_340 = arith.index_cast %swap3A_339 : i32 to index
    %swap3A_341 = arith.constant 32 : index
    %swap3A_342 = tpu.vector_load %arg9[%swap3A_340, %swap3A_341] {strides = array<i32>} : memref<7x112xi32, #tpu.memory_space<vmem>>, vector<16xi32>,
    tpu.vector_store %arg9[%swap3A_340, %swap3A_341], %add3A_338 {strides = array<i32>} : memref<7x112xi32, #tpu.memory_space<vmem>>, vector<16xi32>,
    %add3A_343 = arith.constant 720 : i32
    %add3A_344 = vector.broadcast %add3A_343 : i32 to vector<16xi32>
    %add3A_345 = arith.addi %iota3A, %add3A_344 : vector<16xi32>
    %swap3A_346 = arith.constant 6 : i32
    %swap3A_347 = arith.index_cast %swap3A_346 : i32 to index
    %swap3A_348 = arith.constant 48 : index
    %swap3A_349 = tpu.vector_load %arg9[%swap3A_347, %swap3A_348] {strides = array<i32>} : memref<7x112xi32, #tpu.memory_space<vmem>>, vector<16xi32>,
    tpu.vector_store %arg9[%swap3A_347, %swap3A_348], %add3A_345 {strides = array<i32>} : memref<7x112xi32, #tpu.memory_space<vmem>>, vector<16xi32>,
    %add3A_350 = arith.constant 736 : i32
    %add3A_351 = vector.broadcast %add3A_350 : i32 to vector<16xi32>
    %add3A_352 = arith.addi %iota3A, %add3A_351 : vector<16xi32>
    %swap3A_353 = arith.constant 6 : i32
    %swap3A_354 = arith.index_cast %swap3A_353 : i32 to index
    %swap3A_355 = arith.constant 64 : index
    %swap3A_356 = tpu.vector_load %arg9[%swap3A_354, %swap3A_355] {strides = array<i32>} : memref<7x112xi32, #tpu.memory_space<vmem>>, vector<16xi32>,
    tpu.vector_store %arg9[%swap3A_354, %swap3A_355], %add3A_352 {strides = array<i32>} : memref<7x112xi32, #tpu.memory_space<vmem>>, vector<16xi32>,
    %add3A_357 = arith.constant 752 : i32
    %add3A_358 = vector.broadcast %add3A_357 : i32 to vector<16xi32>
    %add3A_359 = arith.addi %iota3A, %add3A_358 : vector<16xi32>
    %swap3A_360 = arith.constant 6 : i32
    %swap3A_361 = arith.index_cast %swap3A_360 : i32 to index
    %swap3A_362 = arith.constant 80 : index
    %swap3A_363 = tpu.vector_load %arg9[%swap3A_361, %swap3A_362] {strides = array<i32>} : memref<7x112xi32, #tpu.memory_space<vmem>>, vector<16xi32>,
    tpu.vector_store %arg9[%swap3A_361, %swap3A_362], %add3A_359 {strides = array<i32>} : memref<7x112xi32, #tpu.memory_space<vmem>>, vector<16xi32>,
    %add3A_364 = arith.constant 768 : i32
    %add3A_365 = vector.broadcast %add3A_364 : i32 to vector<16xi32>
    %add3A_366 = arith.addi %iota3A, %add3A_365 : vector<16xi32>
    %swap3A_367 = arith.constant 6 : i32
    %swap3A_368 = arith.index_cast %swap3A_367 : i32 to index
    %swap3A_369 = arith.constant 96 : index
    %swap3A_370 = tpu.vector_load %arg9[%swap3A_368, %swap3A_369] {strides = array<i32>} : memref<7x112xi32, #tpu.memory_space<vmem>>, vector<16xi32>,
    tpu.vector_store %arg9[%swap3A_368, %swap3A_369], %add3A_366 {strides = array<i32>} : memref<7x112xi32, #tpu.memory_space<vmem>>, vector<16xi32>,
    %eq3A = arith.constant 0 : i32
    %eq3A_371 = arith.cmpi eq, %arg1, %eq3A : i32
    %convert_element_type3A = arith.extui %eq3A_371 : i1 to i32
    %cond3A = arith.constant 0 : i32
    %cond3A_372 = arith.cmpi ne, %convert_element_type3A, %cond3A : i32
    scf.if %cond3A_372 {
      "tpu.region"() ({
        %run_scoped3A_482 = tpu.sem_alloc : memref<!tpu.dma_semaphore, #tpu.memory_space<semaphore_mem>>
        tpu.enqueue_dma source(%arg10 : memref<784x128xi32, #tpu.memory_space<vmem>>) target(%arg11 : memref<784x128xi32, #tpu.memory_space<vmem_shared>>) target_semaphore(%run_scoped3A_482 : memref<!tpu.dma_semaphore, #tpu.memory_space<semaphore_mem>>)
        tpu.wait_dma2 semaphore(%run_scoped3A_482 : memref<!tpu.dma_semaphore, #tpu.memory_space<semaphore_mem>>) src(%arg10 : memref<784x128xi32, #tpu.memory_space<vmem>>) dst(%arg11 : memref<784x128xi32, #tpu.memory_space<vmem_shared>>)
        tpu.yield
      }) : () -> ()
    } else {
    }
    %barrier3A = arith.constant 0 : index
    tpu.barrier barrier_id(%barrier3A)
    %scan3A = arith.constant 0 : i32
    %scan3A_373 = arith.constant 0 : i32
    %scan3A_374 = arith.constant 10 : i32
    %scan3A_375 = arith.addi %scan3A_373, %scan3A_374 : i32
    %scan3A_376 = arith.constant 1 : i32
    scf.for %scan3A_482 = %scan3A_373 to %scan3A_375 step %scan3A_376  : i32 {
      %mul3A_483 = arith.constant 2 : i32
      %mul3A_484 = arith.muli %mul3A_483, %scan3A_482 : i32
      %add3A_485 = arith.constant 0 : i32
      %add3A_486 = arith.addi %add3A_7, %add3A_485 : i32
      %mul3A_487 = arith.constant 128 : i32
      %mul3A_488 = arith.muli %add3A_486, %mul3A_487 : i32
      %dma_wait3A = arith.constant 0 : i32
      %dma_wait3A_489 = tpu.memref_slice %arg2[%dma_wait3A, %mul3A_488] : memref<2x3200000xi32, #tpu.memory_space<hbm>> -> memref<2x4992xi32, #tpu.memory_space<hbm>>
      %dma_wait3A_490 = arith.constant 0 : i32
      %dma_wait3A_491 = tpu.memref_slice %arg2[%dma_wait3A_490, %mul3A_488] : memref<2x3200000xi32, #tpu.memory_space<hbm>> -> memref<2x4992xi32, #tpu.memory_space<hbm>>
      tpu.wait_dma2 semaphore(%arg12 : memref<!tpu.dma_semaphore, #tpu.memory_space<semaphore_mem>>) src(%dma_wait3A_491 : memref<2x4992xi32, #tpu.memory_space<hbm>>) dst(%arg5 : memref<2x4992xi32, #tpu.memory_space<vmem>>)
      %parallel_loop3A_492 = arith.constant 0 : i32
      %parallel_loop3A_493 = arith.constant 4992 : i32
      %parallel_loop3A_494 = arith.constant 16 : i32
      scf.for %parallel_loop3A_520 = %parallel_loop3A_492 to %parallel_loop3A_493 step %parallel_loop3A_494  : i32 {
        %parallel_loop3A_521 = arith.constant 0 : i32
        %parallel_loop3A_522 = arith.index_cast %parallel_loop3A_521 : i32 to index
        %parallel_loop3A_523 = arith.index_cast %parallel_loop3A_520 : i32 to index
        %parallel_loop3A_524 = tpu.vector_load %arg5[%parallel_loop3A_522, %parallel_loop3A_523] {strides = array<i32>} : memref<2x4992xi32, #tpu.memory_space<vmem>>, vector<16xi32>,
        %parallel_loop3A_525 = arith.constant 7 : i32
        %parallel_loop3A_526 = vector.broadcast %parallel_loop3A_525 : i32 to vector<16xi32>
        %parallel_loop3A_527 = arith.shrui %parallel_loop3A_524, %parallel_loop3A_526 : vector<16xi32>
        %parallel_loop3A_528 = arith.constant 127 : i32
        %parallel_loop3A_529 = vector.broadcast %parallel_loop3A_528 : i32 to vector<16xi32>
        %parallel_loop3A_530 = arith.andi %parallel_loop3A_524, %parallel_loop3A_529 : vector<16xi32>
        tpu.vector_store_idx %arg10[%parallel_loop3A_527, %parallel_loop3A_530], %broadcast_in_dim3A_1 : memref<784x128xi32, #tpu.memory_space<vmem>>[vector<16xi32>, vector<16xi32>], vector<16xi32>,
      } {sc.loop_unroll_factor = 8 : i64, sc.parallel_access}
      %add3A_495 = arith.constant 2 : i32
      %add3A_496 = arith.addi %mul3A_484, %add3A_495 : i32
      %lt3A_497 = arith.constant 20 : i32
      %lt3A_498 = arith.cmpi slt, %add3A_496, %lt3A_497 : i32
      %convert_element_type3A_499 = arith.extui %lt3A_498 : i1 to i32
      %cond3A_500 = arith.constant 0 : i32
      %cond3A_501 = arith.cmpi ne, %convert_element_type3A_499, %cond3A_500 : i32
      scf.if %cond3A_501 {
        %add3A_520 = arith.constant 2 : i32
        %add3A_521 = arith.addi %mul3A_484, %add3A_520 : i32
        %mul3A_522 = arith.constant 39 : i32
        %mul3A_523 = arith.muli %add3A_521, %mul3A_522 : i32
        %add3A_524 = arith.addi %add3A_7, %mul3A_523 : i32
        %mul3A_525 = arith.constant 128 : i32
        %mul3A_526 = arith.muli %add3A_524, %mul3A_525 : i32
        %dma_start3A_527 = arith.constant 0 : i32
        %dma_start3A_528 = tpu.memref_slice %arg2[%dma_start3A_527, %mul3A_526] : memref<2x3200000xi32, #tpu.memory_space<hbm>> -> memref<2x4992xi32, #tpu.memory_space<hbm>>
        %dma_start3A_529 = arith.constant 0 : i32
        %dma_start3A_530 = tpu.memref_slice %arg2[%dma_start3A_529, %mul3A_526] : memref<2x3200000xi32, #tpu.memory_space<hbm>> -> memref<2x4992xi32, #tpu.memory_space<hbm>>
        tpu.enqueue_dma source(%dma_start3A_530 : memref<2x4992xi32, #tpu.memory_space<hbm>>) target(%arg5 : memref<2x4992xi32, #tpu.memory_space<vmem>>) target_semaphore(%arg12 : memref<!tpu.dma_semaphore, #tpu.memory_space<semaphore_mem>>)
      } else {
      }
      %add3A_502 = arith.constant 0 : i32
      %add3A_503 = arith.addi %add3A_7, %add3A_502 : i32
      %mul3A_504 = arith.constant 128 : i32
      %mul3A_505 = arith.muli %add3A_503, %mul3A_504 : i32
      %dma_wait3A_506 = arith.constant 0 : i32
      %dma_wait3A_507 = tpu.memref_slice %arg2[%dma_wait3A_506, %mul3A_505] : memref<2x3200000xi32, #tpu.memory_space<hbm>> -> memref<2x4992xi32, #tpu.memory_space<hbm>>
      %dma_wait3A_508 = arith.constant 0 : i32
      %dma_wait3A_509 = tpu.memref_slice %arg2[%dma_wait3A_508, %mul3A_505] : memref<2x3200000xi32, #tpu.memory_space<hbm>> -> memref<2x4992xi32, #tpu.memory_space<hbm>>
      tpu.wait_dma2 semaphore(%arg13 : memref<!tpu.dma_semaphore, #tpu.memory_space<semaphore_mem>>) src(%dma_wait3A_509 : memref<2x4992xi32, #tpu.memory_space<hbm>>) dst(%arg6 : memref<2x4992xi32, #tpu.memory_space<vmem>>)
      %parallel_loop3A_510 = arith.constant 0 : i32
      %parallel_loop3A_511 = arith.constant 4992 : i32
      %parallel_loop3A_512 = arith.constant 16 : i32
      scf.for %parallel_loop3A_520 = %parallel_loop3A_510 to %parallel_loop3A_511 step %parallel_loop3A_512  : i32 {
        %parallel_loop3A_521 = arith.constant 0 : i32
        %parallel_loop3A_522 = arith.index_cast %parallel_loop3A_521 : i32 to index
        %parallel_loop3A_523 = arith.index_cast %parallel_loop3A_520 : i32 to index
        %parallel_loop3A_524 = tpu.vector_load %arg6[%parallel_loop3A_522, %parallel_loop3A_523] {strides = array<i32>} : memref<2x4992xi32, #tpu.memory_space<vmem>>, vector<16xi32>,
        %parallel_loop3A_525 = arith.constant 7 : i32
        %parallel_loop3A_526 = vector.broadcast %parallel_loop3A_525 : i32 to vector<16xi32>
        %parallel_loop3A_527 = arith.shrui %parallel_loop3A_524, %parallel_loop3A_526 : vector<16xi32>
        %parallel_loop3A_528 = arith.constant 127 : i32
        %parallel_loop3A_529 = vector.broadcast %parallel_loop3A_528 : i32 to vector<16xi32>
        %parallel_loop3A_530 = arith.andi %parallel_loop3A_524, %parallel_loop3A_529 : vector<16xi32>
        tpu.vector_store_idx %arg10[%parallel_loop3A_527, %parallel_loop3A_530], %broadcast_in_dim3A_1 : memref<784x128xi32, #tpu.memory_space<vmem>>[vector<16xi32>, vector<16xi32>], vector<16xi32>,
      } {sc.loop_unroll_factor = 8 : i64, sc.parallel_access}
      %add3A_513 = arith.constant 3 : i32
      %add3A_514 = arith.addi %mul3A_484, %add3A_513 : i32
      %lt3A_515 = arith.constant 20 : i32
      %lt3A_516 = arith.cmpi slt, %add3A_514, %lt3A_515 : i32
      %convert_element_type3A_517 = arith.extui %lt3A_516 : i1 to i32
      %cond3A_518 = arith.constant 0 : i32
      %cond3A_519 = arith.cmpi ne, %convert_element_type3A_517, %cond3A_518 : i32
      scf.if %cond3A_519 {
        %add3A_520 = arith.constant 3 : i32
        %add3A_521 = arith.addi %mul3A_484, %add3A_520 : i32
        %mul3A_522 = arith.constant 39 : i32
        %mul3A_523 = arith.muli %add3A_521, %mul3A_522 : i32
        %add3A_524 = arith.addi %add3A_7, %mul3A_523 : i32
        %mul3A_525 = arith.constant 128 : i32
        %mul3A_526 = arith.muli %add3A_524, %mul3A_525 : i32
        %dma_start3A_527 = arith.constant 0 : i32
        %dma_start3A_528 = tpu.memref_slice %arg2[%dma_start3A_527, %mul3A_526] : memref<2x3200000xi32, #tpu.memory_space<hbm>> -> memref<2x4992xi32, #tpu.memory_space<hbm>>
        %dma_start3A_529 = arith.constant 0 : i32
        %dma_start3A_530 = tpu.memref_slice %arg2[%dma_start3A_529, %mul3A_526] : memref<2x3200000xi32, #tpu.memory_space<hbm>> -> memref<2x4992xi32, #tpu.memory_space<hbm>>
        tpu.enqueue_dma source(%dma_start3A_530 : memref<2x4992xi32, #tpu.memory_space<hbm>>) target(%arg6 : memref<2x4992xi32, #tpu.memory_space<vmem>>) target_semaphore(%arg13 : memref<!tpu.dma_semaphore, #tpu.memory_space<semaphore_mem>>)
      } else {
      }
    }
    %scan3A_377 = arith.constant 10 : i32
    %add3A_378 = arith.constant 780 : i32
    %add3A_379 = arith.addi %add3A_7, %add3A_378 : i32
    %add3A_380 = arith.constant 0 : i32
    %add3A_381 = arith.addi %add3A_379, %add3A_380 : i32
    %mul3A_382 = arith.constant 128 : i32
    %mul3A_383 = arith.muli %add3A_381, %mul3A_382 : i32
    "tpu.region"() ({
      %run_scoped3A_482 = tpu.sem_alloc : memref<!tpu.dma_semaphore, #tpu.memory_space<semaphore_mem>>
      %dma_start3A_483 = arith.constant 0 : i32
      %dma_start3A_484 = tpu.memref_slice %arg2[%dma_start3A_483, %mul3A_383] : memref<2x3200000xi32, #tpu.memory_space<hbm>> -> memref<2x128xi32, #tpu.memory_space<hbm>>
      %dma_start3A_485 = arith.constant 0 : i32
      %dma_start3A_486 = tpu.memref_slice %arg2[%dma_start3A_485, %mul3A_383] : memref<2x3200000xi32, #tpu.memory_space<hbm>> -> memref<2x128xi32, #tpu.memory_space<hbm>>
      tpu.enqueue_dma source(%dma_start3A_486 : memref<2x128xi32, #tpu.memory_space<hbm>>) target(%arg7 : memref<2x128xi32, #tpu.memory_space<vmem>>) target_semaphore(%run_scoped3A_482 : memref<!tpu.dma_semaphore, #tpu.memory_space<semaphore_mem>>)
      %dma_wait3A = arith.constant 0 : i32
      %dma_wait3A_487 = tpu.memref_slice %arg2[%dma_wait3A, %mul3A_383] : memref<2x3200000xi32, #tpu.memory_space<hbm>> -> memref<2x128xi32, #tpu.memory_space<hbm>>
      %dma_wait3A_488 = arith.constant 0 : i32
      %dma_wait3A_489 = tpu.memref_slice %arg2[%dma_wait3A_488, %mul3A_383] : memref<2x3200000xi32, #tpu.memory_space<hbm>> -> memref<2x128xi32, #tpu.memory_space<hbm>>
      tpu.wait_dma2 semaphore(%run_scoped3A_482 : memref<!tpu.dma_semaphore, #tpu.memory_space<semaphore_mem>>) src(%dma_wait3A_489 : memref<2x128xi32, #tpu.memory_space<hbm>>) dst(%arg7 : memref<2x128xi32, #tpu.memory_space<vmem>>)
      tpu.yield
    }) : () -> ()
    %get3A = arith.constant 0 : i32
    %get3A_384 = arith.index_cast %get3A : i32 to index
    %get3A_385 = arith.constant 0 : index
    %get3A_386 = tpu.vector_load %arg7[%get3A_384, %get3A_385] {strides = array<i32>} : memref<2x128xi32, #tpu.memory_space<vmem>>, vector<16xi32>,
    %shift_right_logical3A = arith.constant 7 : i32
    %shift_right_logical3A_387 = vector.broadcast %shift_right_logical3A : i32 to vector<16xi32>
    %shift_right_logical3A_388 = arith.shrui %get3A_386, %shift_right_logical3A_387 : vector<16xi32>
    %and3A = arith.constant 127 : i32
    %and3A_389 = vector.broadcast %and3A : i32 to vector<16xi32>
    %and3A_390 = arith.andi %get3A_386, %and3A_389 : vector<16xi32>
    tpu.vector_store_idx %arg10[%shift_right_logical3A_388, %and3A_390], %broadcast_in_dim3A_1 : memref<784x128xi32, #tpu.memory_space<vmem>>[vector<16xi32>, vector<16xi32>], vector<16xi32>,
    %get3A_391 = arith.constant 0 : i32
    %get3A_392 = arith.index_cast %get3A_391 : i32 to index
    %get3A_393 = arith.constant 16 : index
    %get3A_394 = tpu.vector_load %arg7[%get3A_392, %get3A_393] {strides = array<i32>} : memref<2x128xi32, #tpu.memory_space<vmem>>, vector<16xi32>,
    %shift_right_logical3A_395 = arith.constant 7 : i32
    %shift_right_logical3A_396 = vector.broadcast %shift_right_logical3A_395 : i32 to vector<16xi32>
    %shift_right_logical3A_397 = arith.shrui %get3A_394, %shift_right_logical3A_396 : vector<16xi32>
    %and3A_398 = arith.constant 127 : i32
    %and3A_399 = vector.broadcast %and3A_398 : i32 to vector<16xi32>
    %and3A_400 = arith.andi %get3A_394, %and3A_399 : vector<16xi32>
    tpu.vector_store_idx %arg10[%shift_right_logical3A_397, %and3A_400], %broadcast_in_dim3A_1 : memref<784x128xi32, #tpu.memory_space<vmem>>[vector<16xi32>, vector<16xi32>], vector<16xi32>,
    %get3A_401 = arith.constant 0 : i32
    %get3A_402 = arith.index_cast %get3A_401 : i32 to index
    %get3A_403 = arith.constant 32 : index
    %get3A_404 = tpu.vector_load %arg7[%get3A_402, %get3A_403] {strides = array<i32>} : memref<2x128xi32, #tpu.memory_space<vmem>>, vector<16xi32>,
    %shift_right_logical3A_405 = arith.constant 7 : i32
    %shift_right_logical3A_406 = vector.broadcast %shift_right_logical3A_405 : i32 to vector<16xi32>
    %shift_right_logical3A_407 = arith.shrui %get3A_404, %shift_right_logical3A_406 : vector<16xi32>
    %and3A_408 = arith.constant 127 : i32
    %and3A_409 = vector.broadcast %and3A_408 : i32 to vector<16xi32>
    %and3A_410 = arith.andi %get3A_404, %and3A_409 : vector<16xi32>
    tpu.vector_store_idx %arg10[%shift_right_logical3A_407, %and3A_410], %broadcast_in_dim3A_1 : memref<784x128xi32, #tpu.memory_space<vmem>>[vector<16xi32>, vector<16xi32>], vector<16xi32>,
    %get3A_411 = arith.constant 0 : i32
    %get3A_412 = arith.index_cast %get3A_411 : i32 to index
    %get3A_413 = arith.constant 48 : index
    %get3A_414 = tpu.vector_load %arg7[%get3A_412, %get3A_413] {strides = array<i32>} : memref<2x128xi32, #tpu.memory_space<vmem>>, vector<16xi32>,
    %shift_right_logical3A_415 = arith.constant 7 : i32
    %shift_right_logical3A_416 = vector.broadcast %shift_right_logical3A_415 : i32 to vector<16xi32>
    %shift_right_logical3A_417 = arith.shrui %get3A_414, %shift_right_logical3A_416 : vector<16xi32>
    %and3A_418 = arith.constant 127 : i32
    %and3A_419 = vector.broadcast %and3A_418 : i32 to vector<16xi32>
    %and3A_420 = arith.andi %get3A_414, %and3A_419 : vector<16xi32>
    tpu.vector_store_idx %arg10[%shift_right_logical3A_417, %and3A_420], %broadcast_in_dim3A_1 : memref<784x128xi32, #tpu.memory_space<vmem>>[vector<16xi32>, vector<16xi32>], vector<16xi32>,
    %get3A_421 = arith.constant 0 : i32
    %get3A_422 = arith.index_cast %get3A_421 : i32 to index
    %get3A_423 = arith.constant 64 : index
    %get3A_424 = tpu.vector_load %arg7[%get3A_422, %get3A_423] {strides = array<i32>} : memref<2x128xi32, #tpu.memory_space<vmem>>, vector<16xi32>,
    %shift_right_logical3A_425 = arith.constant 7 : i32
    %shift_right_logical3A_426 = vector.broadcast %shift_right_logical3A_425 : i32 to vector<16xi32>
    %shift_right_logical3A_427 = arith.shrui %get3A_424, %shift_right_logical3A_426 : vector<16xi32>
    %and3A_428 = arith.constant 127 : i32
    %and3A_429 = vector.broadcast %and3A_428 : i32 to vector<16xi32>
    %and3A_430 = arith.andi %get3A_424, %and3A_429 : vector<16xi32>
    tpu.vector_store_idx %arg10[%shift_right_logical3A_427, %and3A_430], %broadcast_in_dim3A_1 : memref<784x128xi32, #tpu.memory_space<vmem>>[vector<16xi32>, vector<16xi32>], vector<16xi32>,
    %get3A_431 = arith.constant 0 : i32
    %get3A_432 = arith.index_cast %get3A_431 : i32 to index
    %get3A_433 = arith.constant 80 : index
    %get3A_434 = tpu.vector_load %arg7[%get3A_432, %get3A_433] {strides = array<i32>} : memref<2x128xi32, #tpu.memory_space<vmem>>, vector<16xi32>,
    %shift_right_logical3A_435 = arith.constant 7 : i32
    %shift_right_logical3A_436 = vector.broadcast %shift_right_logical3A_435 : i32 to vector<16xi32>
    %shift_right_logical3A_437 = arith.shrui %get3A_434, %shift_right_logical3A_436 : vector<16xi32>
    %and3A_438 = arith.constant 127 : i32
    %and3A_439 = vector.broadcast %and3A_438 : i32 to vector<16xi32>
    %and3A_440 = arith.andi %get3A_434, %and3A_439 : vector<16xi32>
    tpu.vector_store_idx %arg10[%shift_right_logical3A_437, %and3A_440], %broadcast_in_dim3A_1 : memref<784x128xi32, #tpu.memory_space<vmem>>[vector<16xi32>, vector<16xi32>], vector<16xi32>,
    %get3A_441 = arith.constant 0 : i32
    %get3A_442 = arith.index_cast %get3A_441 : i32 to index
    %get3A_443 = arith.constant 96 : index
    %get3A_444 = tpu.vector_load %arg7[%get3A_442, %get3A_443] {strides = array<i32>} : memref<2x128xi32, #tpu.memory_space<vmem>>, vector<16xi32>,
    %shift_right_logical3A_445 = arith.constant 7 : i32
    %shift_right_logical3A_446 = vector.broadcast %shift_right_logical3A_445 : i32 to vector<16xi32>
    %shift_right_logical3A_447 = arith.shrui %get3A_444, %shift_right_logical3A_446 : vector<16xi32>
    %and3A_448 = arith.constant 127 : i32
    %and3A_449 = vector.broadcast %and3A_448 : i32 to vector<16xi32>
    %and3A_450 = arith.andi %get3A_444, %and3A_449 : vector<16xi32>
    tpu.vector_store_idx %arg10[%shift_right_logical3A_447, %and3A_450], %broadcast_in_dim3A_1 : memref<784x128xi32, #tpu.memory_space<vmem>>[vector<16xi32>, vector<16xi32>], vector<16xi32>,
    %get3A_451 = arith.constant 0 : i32
    %get3A_452 = arith.index_cast %get3A_451 : i32 to index
    %get3A_453 = arith.constant 112 : index
    %get3A_454 = tpu.vector_load %arg7[%get3A_452, %get3A_453] {strides = array<i32>} : memref<2x128xi32, #tpu.memory_space<vmem>>, vector<16xi32>,
    %shift_right_logical3A_455 = arith.constant 7 : i32
    %shift_right_logical3A_456 = vector.broadcast %shift_right_logical3A_455 : i32 to vector<16xi32>
    %shift_right_logical3A_457 = arith.shrui %get3A_454, %shift_right_logical3A_456 : vector<16xi32>
    %and3A_458 = arith.constant 127 : i32
    %and3A_459 = vector.broadcast %and3A_458 : i32 to vector<16xi32>
    %and3A_460 = arith.andi %get3A_454, %and3A_459 : vector<16xi32>
    tpu.vector_store_idx %arg10[%shift_right_logical3A_457, %and3A_460], %broadcast_in_dim3A_1 : memref<784x128xi32, #tpu.memory_space<vmem>>[vector<16xi32>, vector<16xi32>], vector<16xi32>,
    %gt3A = arith.constant 1 : i32
    %gt3A_461 = arith.cmpi sgt, %add3A_11, %gt3A : i32
    %convert_element_type3A_462 = arith.extui %gt3A_461 : i1 to i32
    %cond3A_463 = arith.constant 0 : i32
    %cond3A_464 = arith.cmpi ne, %convert_element_type3A_462, %cond3A_463 : i32
    scf.if %cond3A_464 {
      %add3A_482 = arith.constant 780 : i32
      %add3A_483 = arith.addi %add3A_7, %add3A_482 : i32
      %add3A_484 = arith.constant 1 : i32
      %add3A_485 = arith.addi %add3A_483, %add3A_484 : i32
      %mul3A_486 = arith.constant 128 : i32
      %mul3A_487 = arith.muli %add3A_485, %mul3A_486 : i32
      "tpu.region"() ({
        %run_scoped3A_568 = tpu.sem_alloc : memref<!tpu.dma_semaphore, #tpu.memory_space<semaphore_mem>>
        %dma_start3A_569 = arith.constant 0 : i32
        %dma_start3A_570 = tpu.memref_slice %arg2[%dma_start3A_569, %mul3A_487] : memref<2x3200000xi32, #tpu.memory_space<hbm>> -> memref<2x128xi32, #tpu.memory_space<hbm>>
        %dma_start3A_571 = arith.constant 0 : i32
        %dma_start3A_572 = tpu.memref_slice %arg2[%dma_start3A_571, %mul3A_487] : memref<2x3200000xi32, #tpu.memory_space<hbm>> -> memref<2x128xi32, #tpu.memory_space<hbm>>
        tpu.enqueue_dma source(%dma_start3A_572 : memref<2x128xi32, #tpu.memory_space<hbm>>) target(%arg7 : memref<2x128xi32, #tpu.memory_space<vmem>>) target_semaphore(%run_scoped3A_568 : memref<!tpu.dma_semaphore, #tpu.memory_space<semaphore_mem>>)
        %dma_wait3A = arith.constant 0 : i32
        %dma_wait3A_573 = tpu.memref_slice %arg2[%dma_wait3A, %mul3A_487] : memref<2x3200000xi32, #tpu.memory_space<hbm>> -> memref<2x128xi32, #tpu.memory_space<hbm>>
        %dma_wait3A_574 = arith.constant 0 : i32
        %dma_wait3A_575 = tpu.memref_slice %arg2[%dma_wait3A_574, %mul3A_487] : memref<2x3200000xi32, #tpu.memory_space<hbm>> -> memref<2x128xi32, #tpu.memory_space<hbm>>
        tpu.wait_dma2 semaphore(%run_scoped3A_568 : memref<!tpu.dma_semaphore, #tpu.memory_space<semaphore_mem>>) src(%dma_wait3A_575 : memref<2x128xi32, #tpu.memory_space<hbm>>) dst(%arg7 : memref<2x128xi32, #tpu.memory_space<vmem>>)
        tpu.yield
      }) : () -> ()
      %get3A_488 = arith.constant 0 : i32
      %get3A_489 = arith.index_cast %get3A_488 : i32 to index
      %get3A_490 = arith.constant 0 : index
      %get3A_491 = tpu.vector_load %arg7[%get3A_489, %get3A_490] {strides = array<i32>} : memref<2x128xi32, #tpu.memory_space<vmem>>, vector<16xi32>,
      %shift_right_logical3A_492 = arith.constant 7 : i32
      %shift_right_logical3A_493 = vector.broadcast %shift_right_logical3A_492 : i32 to vector<16xi32>
      %shift_right_logical3A_494 = arith.shrui %get3A_491, %shift_right_logical3A_493 : vector<16xi32>
      %and3A_495 = arith.constant 127 : i32
      %and3A_496 = vector.broadcast %and3A_495 : i32 to vector<16xi32>
      %and3A_497 = arith.andi %get3A_491, %and3A_496 : vector<16xi32>
      tpu.vector_store_idx %arg10[%shift_right_logical3A_494, %and3A_497], %broadcast_in_dim3A_1 : memref<784x128xi32, #tpu.memory_space<vmem>>[vector<16xi32>, vector<16xi32>], vector<16xi32>,
      %get3A_498 = arith.constant 0 : i32
      %get3A_499 = arith.index_cast %get3A_498 : i32 to index
      %get3A_500 = arith.constant 16 : index
      %get3A_501 = tpu.vector_load %arg7[%get3A_499, %get3A_500] {strides = array<i32>} : memref<2x128xi32, #tpu.memory_space<vmem>>, vector<16xi32>,
      %shift_right_logical3A_502 = arith.constant 7 : i32
      %shift_right_logical3A_503 = vector.broadcast %shift_right_logical3A_502 : i32 to vector<16xi32>
      %shift_right_logical3A_504 = arith.shrui %get3A_501, %shift_right_logical3A_503 : vector<16xi32>
      %and3A_505 = arith.constant 127 : i32
      %and3A_506 = vector.broadcast %and3A_505 : i32 to vector<16xi32>
      %and3A_507 = arith.andi %get3A_501, %and3A_506 : vector<16xi32>
      tpu.vector_store_idx %arg10[%shift_right_logical3A_504, %and3A_507], %broadcast_in_dim3A_1 : memref<784x128xi32, #tpu.memory_space<vmem>>[vector<16xi32>, vector<16xi32>], vector<16xi32>,
      %get3A_508 = arith.constant 0 : i32
      %get3A_509 = arith.index_cast %get3A_508 : i32 to index
      %get3A_510 = arith.constant 32 : index
      %get3A_511 = tpu.vector_load %arg7[%get3A_509, %get3A_510] {strides = array<i32>} : memref<2x128xi32, #tpu.memory_space<vmem>>, vector<16xi32>,
      %shift_right_logical3A_512 = arith.constant 7 : i32
      %shift_right_logical3A_513 = vector.broadcast %shift_right_logical3A_512 : i32 to vector<16xi32>
      %shift_right_logical3A_514 = arith.shrui %get3A_511, %shift_right_logical3A_513 : vector<16xi32>
      %and3A_515 = arith.constant 127 : i32
      %and3A_516 = vector.broadcast %and3A_515 : i32 to vector<16xi32>
      %and3A_517 = arith.andi %get3A_511, %and3A_516 : vector<16xi32>
      tpu.vector_store_idx %arg10[%shift_right_logical3A_514, %and3A_517], %broadcast_in_dim3A_1 : memref<784x128xi32, #tpu.memory_space<vmem>>[vector<16xi32>, vector<16xi32>], vector<16xi32>,
      %get3A_518 = arith.constant 0 : i32
      %get3A_519 = arith.index_cast %get3A_518 : i32 to index
      %get3A_520 = arith.constant 48 : index
      %get3A_521 = tpu.vector_load %arg7[%get3A_519, %get3A_520] {strides = array<i32>} : memref<2x128xi32, #tpu.memory_space<vmem>>, vector<16xi32>,
      %shift_right_logical3A_522 = arith.constant 7 : i32
      %shift_right_logical3A_523 = vector.broadcast %shift_right_logical3A_522 : i32 to vector<16xi32>
      %shift_right_logical3A_524 = arith.shrui %get3A_521, %shift_right_logical3A_523 : vector<16xi32>
      %and3A_525 = arith.constant 127 : i32
      %and3A_526 = vector.broadcast %and3A_525 : i32 to vector<16xi32>
      %and3A_527 = arith.andi %get3A_521, %and3A_526 : vector<16xi32>
      tpu.vector_store_idx %arg10[%shift_right_logical3A_524, %and3A_527], %broadcast_in_dim3A_1 : memref<784x128xi32, #tpu.memory_space<vmem>>[vector<16xi32>, vector<16xi32>], vector<16xi32>,
      %get3A_528 = arith.constant 0 : i32
      %get3A_529 = arith.index_cast %get3A_528 : i32 to index
      %get3A_530 = arith.constant 64 : index
      %get3A_531 = tpu.vector_load %arg7[%get3A_529, %get3A_530] {strides = array<i32>} : memref<2x128xi32, #tpu.memory_space<vmem>>, vector<16xi32>,
      %shift_right_logical3A_532 = arith.constant 7 : i32
      %shift_right_logical3A_533 = vector.broadcast %shift_right_logical3A_532 : i32 to vector<16xi32>
      %shift_right_logical3A_534 = arith.shrui %get3A_531, %shift_right_logical3A_533 : vector<16xi32>
      %and3A_535 = arith.constant 127 : i32
      %and3A_536 = vector.broadcast %and3A_535 : i32 to vector<16xi32>
      %and3A_537 = arith.andi %get3A_531, %and3A_536 : vector<16xi32>
      tpu.vector_store_idx %arg10[%shift_right_logical3A_534, %and3A_537], %broadcast_in_dim3A_1 : memref<784x128xi32, #tpu.memory_space<vmem>>[vector<16xi32>, vector<16xi32>], vector<16xi32>,
      %get3A_538 = arith.constant 0 : i32
      %get3A_539 = arith.index_cast %get3A_538 : i32 to index
      %get3A_540 = arith.constant 80 : index
      %get3A_541 = tpu.vector_load %arg7[%get3A_539, %get3A_540] {strides = array<i32>} : memref<2x128xi32, #tpu.memory_space<vmem>>, vector<16xi32>,
      %shift_right_logical3A_542 = arith.constant 7 : i32
      %shift_right_logical3A_543 = vector.broadcast %shift_right_logical3A_542 : i32 to vector<16xi32>
      %shift_right_logical3A_544 = arith.shrui %get3A_541, %shift_right_logical3A_543 : vector<16xi32>
      %and3A_545 = arith.constant 127 : i32
      %and3A_546 = vector.broadcast %and3A_545 : i32 to vector<16xi32>
      %and3A_547 = arith.andi %get3A_541, %and3A_546 : vector<16xi32>
      tpu.vector_store_idx %arg10[%shift_right_logical3A_544, %and3A_547], %broadcast_in_dim3A_1 : memref<784x128xi32, #tpu.memory_space<vmem>>[vector<16xi32>, vector<16xi32>], vector<16xi32>,
      %get3A_548 = arith.constant 0 : i32
      %get3A_549 = arith.index_cast %get3A_548 : i32 to index
      %get3A_550 = arith.constant 96 : index
      %get3A_551 = tpu.vector_load %arg7[%get3A_549, %get3A_550] {strides = array<i32>} : memref<2x128xi32, #tpu.memory_space<vmem>>, vector<16xi32>,
      %shift_right_logical3A_552 = arith.constant 7 : i32
      %shift_right_logical3A_553 = vector.broadcast %shift_right_logical3A_552 : i32 to vector<16xi32>
      %shift_right_logical3A_554 = arith.shrui %get3A_551, %shift_right_logical3A_553 : vector<16xi32>
      %and3A_555 = arith.constant 127 : i32
      %and3A_556 = vector.broadcast %and3A_555 : i32 to vector<16xi32>
      %and3A_557 = arith.andi %get3A_551, %and3A_556 : vector<16xi32>
      tpu.vector_store_idx %arg10[%shift_right_logical3A_554, %and3A_557], %broadcast_in_dim3A_1 : memref<784x128xi32, #tpu.memory_space<vmem>>[vector<16xi32>, vector<16xi32>], vector<16xi32>,
      %get3A_558 = arith.constant 0 : i32
      %get3A_559 = arith.index_cast %get3A_558 : i32 to index
      %get3A_560 = arith.constant 112 : index
      %get3A_561 = tpu.vector_load %arg7[%get3A_559, %get3A_560] {strides = array<i32>} : memref<2x128xi32, #tpu.memory_space<vmem>>, vector<16xi32>,
      %shift_right_logical3A_562 = arith.constant 7 : i32
      %shift_right_logical3A_563 = vector.broadcast %shift_right_logical3A_562 : i32 to vector<16xi32>
      %shift_right_logical3A_564 = arith.shrui %get3A_561, %shift_right_logical3A_563 : vector<16xi32>
      %and3A_565 = arith.constant 127 : i32
      %and3A_566 = vector.broadcast %and3A_565 : i32 to vector<16xi32>
      %and3A_567 = arith.andi %get3A_561, %and3A_566 : vector<16xi32>
      tpu.vector_store_idx %arg10[%shift_right_logical3A_564, %and3A_567], %broadcast_in_dim3A_1 : memref<784x128xi32, #tpu.memory_space<vmem>>[vector<16xi32>, vector<16xi32>], vector<16xi32>,
    } else {
    }
    %eq3A_465 = arith.constant 0 : i32
    %eq3A_466 = arith.cmpi eq, %add3A, %eq3A_465 : i32
    %convert_element_type3A_467 = arith.extui %eq3A_466 : i1 to i32
    %cond3A_468 = arith.constant 0 : i32
    %cond3A_469 = arith.cmpi ne, %convert_element_type3A_467, %cond3A_468 : i32
    scf.if %cond3A_469 {
      "tpu.region"() ({
        %run_scoped3A_708 = tpu.sem_alloc : memref<!tpu.dma_semaphore, #tpu.memory_space<semaphore_mem>>
        tpu.enqueue_dma source(%arg3 : memref<64xi32, #tpu.memory_space<hbm>>) target(%arg8 : memref<64xi32, #tpu.memory_space<vmem>>) target_semaphore(%run_scoped3A_708 : memref<!tpu.dma_semaphore, #tpu.memory_space<semaphore_mem>>)
        tpu.wait_dma2 semaphore(%run_scoped3A_708 : memref<!tpu.dma_semaphore, #tpu.memory_space<semaphore_mem>>) src(%arg3 : memref<64xi32, #tpu.memory_space<hbm>>) dst(%arg8 : memref<64xi32, #tpu.memory_space<vmem>>)
        tpu.yield
      }) : () -> ()
      %broadcast_in_dim3A_482 = arith.constant 16777216 : i32
      %broadcast_in_dim3A_483 = vector.broadcast %broadcast_in_dim3A_482 : i32 to vector<16xi32>
      %get3A_484 = arith.constant 0 : index
      %get3A_485 = tpu.vector_load %arg8[%get3A_484] {strides = array<i32>} : memref<64xi32, #tpu.memory_space<vmem>>, vector<16xi32>,
      %shift_right_logical3A_486 = arith.constant 7 : i32
      %shift_right_logical3A_487 = vector.broadcast %shift_right_logical3A_486 : i32 to vector<16xi32>
      %shift_right_logical3A_488 = arith.shrui %get3A_485, %shift_right_logical3A_487 : vector<16xi32>
      %and3A_489 = arith.constant 127 : i32
      %and3A_490 = vector.broadcast %and3A_489 : i32 to vector<16xi32>
      %and3A_491 = arith.andi %get3A_485, %and3A_490 : vector<16xi32>
      %eq3A_492 = arith.constant 0 : i32
      %eq3A_493 = vector.broadcast %eq3A_492 : i32 to vector<16xi32>
      %eq3A_494 = arith.cmpi eq, %iota3A, %eq3A_493 : vector<16xi32>
      tpu.vector_store_idx %arg10[%shift_right_logical3A_488, %and3A_491], %broadcast_in_dim3A_483 masked %eq3A_494 {add = true} : memref<784x128xi32, #tpu.memory_space<vmem>>[vector<16xi32>, vector<16xi32>], vector<16xi32>, vector<16xi1>
      %eq3A_495 = arith.constant 1 : i32
      %eq3A_496 = vector.broadcast %eq3A_495 : i32 to vector<16xi32>
      %eq3A_497 = arith.cmpi eq, %iota3A, %eq3A_496 : vector<16xi32>
      tpu.vector_store_idx %arg10[%shift_right_logical3A_488, %and3A_491], %broadcast_in_dim3A_483 masked %eq3A_497 {add = true} : memref<784x128xi32, #tpu.memory_space<vmem>>[vector<16xi32>, vector<16xi32>], vector<16xi32>, vector<16xi1>
      %eq3A_498 = arith.constant 2 : i32
      %eq3A_499 = vector.broadcast %eq3A_498 : i32 to vector<16xi32>
      %eq3A_500 = arith.cmpi eq, %iota3A, %eq3A_499 : vector<16xi32>
      tpu.vector_store_idx %arg10[%shift_right_logical3A_488, %and3A_491], %broadcast_in_dim3A_483 masked %eq3A_500 {add = true} : memref<784x128xi32, #tpu.memory_space<vmem>>[vector<16xi32>, vector<16xi32>], vector<16xi32>, vector<16xi1>
      %eq3A_501 = arith.constant 3 : i32
      %eq3A_502 = vector.broadcast %eq3A_501 : i32 to vector<16xi32>
      %eq3A_503 = arith.cmpi eq, %iota3A, %eq3A_502 : vector<16xi32>
      tpu.vector_store_idx %arg10[%shift_right_logical3A_488, %and3A_491], %broadcast_in_dim3A_483 masked %eq3A_503 {add = true} : memref<784x128xi32, #tpu.memory_space<vmem>>[vector<16xi32>, vector<16xi32>], vector<16xi32>, vector<16xi1>
      %eq3A_504 = arith.constant 4 : i32
      %eq3A_505 = vector.broadcast %eq3A_504 : i32 to vector<16xi32>
      %eq3A_506 = arith.cmpi eq, %iota3A, %eq3A_505 : vector<16xi32>
      tpu.vector_store_idx %arg10[%shift_right_logical3A_488, %and3A_491], %broadcast_in_dim3A_483 masked %eq3A_506 {add = true} : memref<784x128xi32, #tpu.memory_space<vmem>>[vector<16xi32>, vector<16xi32>], vector<16xi32>, vector<16xi1>
      %eq3A_507 = arith.constant 5 : i32
      %eq3A_508 = vector.broadcast %eq3A_507 : i32 to vector<16xi32>
      %eq3A_509 = arith.cmpi eq, %iota3A, %eq3A_508 : vector<16xi32>
      tpu.vector_store_idx %arg10[%shift_right_logical3A_488, %and3A_491], %broadcast_in_dim3A_483 masked %eq3A_509 {add = true} : memref<784x128xi32, #tpu.memory_space<vmem>>[vector<16xi32>, vector<16xi32>], vector<16xi32>, vector<16xi1>
      %eq3A_510 = arith.constant 6 : i32
      %eq3A_511 = vector.broadcast %eq3A_510 : i32 to vector<16xi32>
      %eq3A_512 = arith.cmpi eq, %iota3A, %eq3A_511 : vector<16xi32>
      tpu.vector_store_idx %arg10[%shift_right_logical3A_488, %and3A_491], %broadcast_in_dim3A_483 masked %eq3A_512 {add = true} : memref<784x128xi32, #tpu.memory_space<vmem>>[vector<16xi32>, vector<16xi32>], vector<16xi32>, vector<16xi1>
      %eq3A_513 = arith.constant 7 : i32
      %eq3A_514 = vector.broadcast %eq3A_513 : i32 to vector<16xi32>
      %eq3A_515 = arith.cmpi eq, %iota3A, %eq3A_514 : vector<16xi32>
      tpu.vector_store_idx %arg10[%shift_right_logical3A_488, %and3A_491], %broadcast_in_dim3A_483 masked %eq3A_515 {add = true} : memref<784x128xi32, #tpu.memory_space<vmem>>[vector<16xi32>, vector<16xi32>], vector<16xi32>, vector<16xi1>
      %eq3A_516 = arith.constant 8 : i32
      %eq3A_517 = vector.broadcast %eq3A_516 : i32 to vector<16xi32>
      %eq3A_518 = arith.cmpi eq, %iota3A, %eq3A_517 : vector<16xi32>
      tpu.vector_store_idx %arg10[%shift_right_logical3A_488, %and3A_491], %broadcast_in_dim3A_483 masked %eq3A_518 {add = true} : memref<784x128xi32, #tpu.memory_space<vmem>>[vector<16xi32>, vector<16xi32>], vector<16xi32>, vector<16xi1>
      %eq3A_519 = arith.constant 9 : i32
      %eq3A_520 = vector.broadcast %eq3A_519 : i32 to vector<16xi32>
      %eq3A_521 = arith.cmpi eq, %iota3A, %eq3A_520 : vector<16xi32>
      tpu.vector_store_idx %arg10[%shift_right_logical3A_488, %and3A_491], %broadcast_in_dim3A_483 masked %eq3A_521 {add = true} : memref<784x128xi32, #tpu.memory_space<vmem>>[vector<16xi32>, vector<16xi32>], vector<16xi32>, vector<16xi1>
      %eq3A_522 = arith.constant 10 : i32
      %eq3A_523 = vector.broadcast %eq3A_522 : i32 to vector<16xi32>
      %eq3A_524 = arith.cmpi eq, %iota3A, %eq3A_523 : vector<16xi32>
      tpu.vector_store_idx %arg10[%shift_right_logical3A_488, %and3A_491], %broadcast_in_dim3A_483 masked %eq3A_524 {add = true} : memref<784x128xi32, #tpu.memory_space<vmem>>[vector<16xi32>, vector<16xi32>], vector<16xi32>, vector<16xi1>
      %eq3A_525 = arith.constant 11 : i32
      %eq3A_526 = vector.broadcast %eq3A_525 : i32 to vector<16xi32>
      %eq3A_527 = arith.cmpi eq, %iota3A, %eq3A_526 : vector<16xi32>
      tpu.vector_store_idx %arg10[%shift_right_logical3A_488, %and3A_491], %broadcast_in_dim3A_483 masked %eq3A_527 {add = true} : memref<784x128xi32, #tpu.memory_space<vmem>>[vector<16xi32>, vector<16xi32>], vector<16xi32>, vector<16xi1>
      %eq3A_528 = arith.constant 12 : i32
      %eq3A_529 = vector.broadcast %eq3A_528 : i32 to vector<16xi32>
      %eq3A_530 = arith.cmpi eq, %iota3A, %eq3A_529 : vector<16xi32>
      tpu.vector_store_idx %arg10[%shift_right_logical3A_488, %and3A_491], %broadcast_in_dim3A_483 masked %eq3A_530 {add = true} : memref<784x128xi32, #tpu.memory_space<vmem>>[vector<16xi32>, vector<16xi32>], vector<16xi32>, vector<16xi1>
      %eq3A_531 = arith.constant 13 : i32
      %eq3A_532 = vector.broadcast %eq3A_531 : i32 to vector<16xi32>
      %eq3A_533 = arith.cmpi eq, %iota3A, %eq3A_532 : vector<16xi32>
      tpu.vector_store_idx %arg10[%shift_right_logical3A_488, %and3A_491], %broadcast_in_dim3A_483 masked %eq3A_533 {add = true} : memref<784x128xi32, #tpu.memory_space<vmem>>[vector<16xi32>, vector<16xi32>], vector<16xi32>, vector<16xi1>
      %eq3A_534 = arith.constant 14 : i32
      %eq3A_535 = vector.broadcast %eq3A_534 : i32 to vector<16xi32>
      %eq3A_536 = arith.cmpi eq, %iota3A, %eq3A_535 : vector<16xi32>
      tpu.vector_store_idx %arg10[%shift_right_logical3A_488, %and3A_491], %broadcast_in_dim3A_483 masked %eq3A_536 {add = true} : memref<784x128xi32, #tpu.memory_space<vmem>>[vector<16xi32>, vector<16xi32>], vector<16xi32>, vector<16xi1>
      %eq3A_537 = arith.constant 15 : i32
      %eq3A_538 = vector.broadcast %eq3A_537 : i32 to vector<16xi32>
      %eq3A_539 = arith.cmpi eq, %iota3A, %eq3A_538 : vector<16xi32>
      tpu.vector_store_idx %arg10[%shift_right_logical3A_488, %and3A_491], %broadcast_in_dim3A_483 masked %eq3A_539 {add = true} : memref<784x128xi32, #tpu.memory_space<vmem>>[vector<16xi32>, vector<16xi32>], vector<16xi32>, vector<16xi1>
      %get3A_540 = arith.constant 16 : index
      %get3A_541 = tpu.vector_load %arg8[%get3A_540] {strides = array<i32>} : memref<64xi32, #tpu.memory_space<vmem>>, vector<16xi32>,
      %shift_right_logical3A_542 = arith.constant 7 : i32
      %shift_right_logical3A_543 = vector.broadcast %shift_right_logical3A_542 : i32 to vector<16xi32>
      %shift_right_logical3A_544 = arith.shrui %get3A_541, %shift_right_logical3A_543 : vector<16xi32>
      %and3A_545 = arith.constant 127 : i32
      %and3A_546 = vector.broadcast %and3A_545 : i32 to vector<16xi32>
      %and3A_547 = arith.andi %get3A_541, %and3A_546 : vector<16xi32>
      %eq3A_548 = arith.constant 0 : i32
      %eq3A_549 = vector.broadcast %eq3A_548 : i32 to vector<16xi32>
      %eq3A_550 = arith.cmpi eq, %iota3A, %eq3A_549 : vector<16xi32>
      tpu.vector_store_idx %arg10[%shift_right_logical3A_544, %and3A_547], %broadcast_in_dim3A_483 masked %eq3A_550 {add = true} : memref<784x128xi32, #tpu.memory_space<vmem>>[vector<16xi32>, vector<16xi32>], vector<16xi32>, vector<16xi1>
      %eq3A_551 = arith.constant 1 : i32
      %eq3A_552 = vector.broadcast %eq3A_551 : i32 to vector<16xi32>
      %eq3A_553 = arith.cmpi eq, %iota3A, %eq3A_552 : vector<16xi32>
      tpu.vector_store_idx %arg10[%shift_right_logical3A_544, %and3A_547], %broadcast_in_dim3A_483 masked %eq3A_553 {add = true} : memref<784x128xi32, #tpu.memory_space<vmem>>[vector<16xi32>, vector<16xi32>], vector<16xi32>, vector<16xi1>
      %eq3A_554 = arith.constant 2 : i32
      %eq3A_555 = vector.broadcast %eq3A_554 : i32 to vector<16xi32>
      %eq3A_556 = arith.cmpi eq, %iota3A, %eq3A_555 : vector<16xi32>
      tpu.vector_store_idx %arg10[%shift_right_logical3A_544, %and3A_547], %broadcast_in_dim3A_483 masked %eq3A_556 {add = true} : memref<784x128xi32, #tpu.memory_space<vmem>>[vector<16xi32>, vector<16xi32>], vector<16xi32>, vector<16xi1>
      %eq3A_557 = arith.constant 3 : i32
      %eq3A_558 = vector.broadcast %eq3A_557 : i32 to vector<16xi32>
      %eq3A_559 = arith.cmpi eq, %iota3A, %eq3A_558 : vector<16xi32>
      tpu.vector_store_idx %arg10[%shift_right_logical3A_544, %and3A_547], %broadcast_in_dim3A_483 masked %eq3A_559 {add = true} : memref<784x128xi32, #tpu.memory_space<vmem>>[vector<16xi32>, vector<16xi32>], vector<16xi32>, vector<16xi1>
      %eq3A_560 = arith.constant 4 : i32
      %eq3A_561 = vector.broadcast %eq3A_560 : i32 to vector<16xi32>
      %eq3A_562 = arith.cmpi eq, %iota3A, %eq3A_561 : vector<16xi32>
      tpu.vector_store_idx %arg10[%shift_right_logical3A_544, %and3A_547], %broadcast_in_dim3A_483 masked %eq3A_562 {add = true} : memref<784x128xi32, #tpu.memory_space<vmem>>[vector<16xi32>, vector<16xi32>], vector<16xi32>, vector<16xi1>
      %eq3A_563 = arith.constant 5 : i32
      %eq3A_564 = vector.broadcast %eq3A_563 : i32 to vector<16xi32>
      %eq3A_565 = arith.cmpi eq, %iota3A, %eq3A_564 : vector<16xi32>
      tpu.vector_store_idx %arg10[%shift_right_logical3A_544, %and3A_547], %broadcast_in_dim3A_483 masked %eq3A_565 {add = true} : memref<784x128xi32, #tpu.memory_space<vmem>>[vector<16xi32>, vector<16xi32>], vector<16xi32>, vector<16xi1>
      %eq3A_566 = arith.constant 6 : i32
      %eq3A_567 = vector.broadcast %eq3A_566 : i32 to vector<16xi32>
      %eq3A_568 = arith.cmpi eq, %iota3A, %eq3A_567 : vector<16xi32>
      tpu.vector_store_idx %arg10[%shift_right_logical3A_544, %and3A_547], %broadcast_in_dim3A_483 masked %eq3A_568 {add = true} : memref<784x128xi32, #tpu.memory_space<vmem>>[vector<16xi32>, vector<16xi32>], vector<16xi32>, vector<16xi1>
      %eq3A_569 = arith.constant 7 : i32
      %eq3A_570 = vector.broadcast %eq3A_569 : i32 to vector<16xi32>
      %eq3A_571 = arith.cmpi eq, %iota3A, %eq3A_570 : vector<16xi32>
      tpu.vector_store_idx %arg10[%shift_right_logical3A_544, %and3A_547], %broadcast_in_dim3A_483 masked %eq3A_571 {add = true} : memref<784x128xi32, #tpu.memory_space<vmem>>[vector<16xi32>, vector<16xi32>], vector<16xi32>, vector<16xi1>
      %eq3A_572 = arith.constant 8 : i32
      %eq3A_573 = vector.broadcast %eq3A_572 : i32 to vector<16xi32>
      %eq3A_574 = arith.cmpi eq, %iota3A, %eq3A_573 : vector<16xi32>
      tpu.vector_store_idx %arg10[%shift_right_logical3A_544, %and3A_547], %broadcast_in_dim3A_483 masked %eq3A_574 {add = true} : memref<784x128xi32, #tpu.memory_space<vmem>>[vector<16xi32>, vector<16xi32>], vector<16xi32>, vector<16xi1>
      %eq3A_575 = arith.constant 9 : i32
      %eq3A_576 = vector.broadcast %eq3A_575 : i32 to vector<16xi32>
      %eq3A_577 = arith.cmpi eq, %iota3A, %eq3A_576 : vector<16xi32>
      tpu.vector_store_idx %arg10[%shift_right_logical3A_544, %and3A_547], %broadcast_in_dim3A_483 masked %eq3A_577 {add = true} : memref<784x128xi32, #tpu.memory_space<vmem>>[vector<16xi32>, vector<16xi32>], vector<16xi32>, vector<16xi1>
      %eq3A_578 = arith.constant 10 : i32
      %eq3A_579 = vector.broadcast %eq3A_578 : i32 to vector<16xi32>
      %eq3A_580 = arith.cmpi eq, %iota3A, %eq3A_579 : vector<16xi32>
      tpu.vector_store_idx %arg10[%shift_right_logical3A_544, %and3A_547], %broadcast_in_dim3A_483 masked %eq3A_580 {add = true} : memref<784x128xi32, #tpu.memory_space<vmem>>[vector<16xi32>, vector<16xi32>], vector<16xi32>, vector<16xi1>
      %eq3A_581 = arith.constant 11 : i32
      %eq3A_582 = vector.broadcast %eq3A_581 : i32 to vector<16xi32>
      %eq3A_583 = arith.cmpi eq, %iota3A, %eq3A_582 : vector<16xi32>
      tpu.vector_store_idx %arg10[%shift_right_logical3A_544, %and3A_547], %broadcast_in_dim3A_483 masked %eq3A_583 {add = true} : memref<784x128xi32, #tpu.memory_space<vmem>>[vector<16xi32>, vector<16xi32>], vector<16xi32>, vector<16xi1>
      %eq3A_584 = arith.constant 12 : i32
      %eq3A_585 = vector.broadcast %eq3A_584 : i32 to vector<16xi32>
      %eq3A_586 = arith.cmpi eq, %iota3A, %eq3A_585 : vector<16xi32>
      tpu.vector_store_idx %arg10[%shift_right_logical3A_544, %and3A_547], %broadcast_in_dim3A_483 masked %eq3A_586 {add = true} : memref<784x128xi32, #tpu.memory_space<vmem>>[vector<16xi32>, vector<16xi32>], vector<16xi32>, vector<16xi1>
      %eq3A_587 = arith.constant 13 : i32
      %eq3A_588 = vector.broadcast %eq3A_587 : i32 to vector<16xi32>
      %eq3A_589 = arith.cmpi eq, %iota3A, %eq3A_588 : vector<16xi32>
      tpu.vector_store_idx %arg10[%shift_right_logical3A_544, %and3A_547], %broadcast_in_dim3A_483 masked %eq3A_589 {add = true} : memref<784x128xi32, #tpu.memory_space<vmem>>[vector<16xi32>, vector<16xi32>], vector<16xi32>, vector<16xi1>
      %eq3A_590 = arith.constant 14 : i32
      %eq3A_591 = vector.broadcast %eq3A_590 : i32 to vector<16xi32>
      %eq3A_592 = arith.cmpi eq, %iota3A, %eq3A_591 : vector<16xi32>
      tpu.vector_store_idx %arg10[%shift_right_logical3A_544, %and3A_547], %broadcast_in_dim3A_483 masked %eq3A_592 {add = true} : memref<784x128xi32, #tpu.memory_space<vmem>>[vector<16xi32>, vector<16xi32>], vector<16xi32>, vector<16xi1>
      %eq3A_593 = arith.constant 15 : i32
      %eq3A_594 = vector.broadcast %eq3A_593 : i32 to vector<16xi32>
      %eq3A_595 = arith.cmpi eq, %iota3A, %eq3A_594 : vector<16xi32>
      tpu.vector_store_idx %arg10[%shift_right_logical3A_544, %and3A_547], %broadcast_in_dim3A_483 masked %eq3A_595 {add = true} : memref<784x128xi32, #tpu.memory_space<vmem>>[vector<16xi32>, vector<16xi32>], vector<16xi32>, vector<16xi1>
      %get3A_596 = arith.constant 32 : index
      %get3A_597 = tpu.vector_load %arg8[%get3A_596] {strides = array<i32>} : memref<64xi32, #tpu.memory_space<vmem>>, vector<16xi32>,
      %shift_right_logical3A_598 = arith.constant 7 : i32
      %shift_right_logical3A_599 = vector.broadcast %shift_right_logical3A_598 : i32 to vector<16xi32>
      %shift_right_logical3A_600 = arith.shrui %get3A_597, %shift_right_logical3A_599 : vector<16xi32>
      %and3A_601 = arith.constant 127 : i32
      %and3A_602 = vector.broadcast %and3A_601 : i32 to vector<16xi32>
      %and3A_603 = arith.andi %get3A_597, %and3A_602 : vector<16xi32>
      %eq3A_604 = arith.constant 0 : i32
      %eq3A_605 = vector.broadcast %eq3A_604 : i32 to vector<16xi32>
      %eq3A_606 = arith.cmpi eq, %iota3A, %eq3A_605 : vector<16xi32>
      tpu.vector_store_idx %arg10[%shift_right_logical3A_600, %and3A_603], %broadcast_in_dim3A_483 masked %eq3A_606 {add = true} : memref<784x128xi32, #tpu.memory_space<vmem>>[vector<16xi32>, vector<16xi32>], vector<16xi32>, vector<16xi1>
      %eq3A_607 = arith.constant 1 : i32
      %eq3A_608 = vector.broadcast %eq3A_607 : i32 to vector<16xi32>
      %eq3A_609 = arith.cmpi eq, %iota3A, %eq3A_608 : vector<16xi32>
      tpu.vector_store_idx %arg10[%shift_right_logical3A_600, %and3A_603], %broadcast_in_dim3A_483 masked %eq3A_609 {add = true} : memref<784x128xi32, #tpu.memory_space<vmem>>[vector<16xi32>, vector<16xi32>], vector<16xi32>, vector<16xi1>
      %eq3A_610 = arith.constant 2 : i32
      %eq3A_611 = vector.broadcast %eq3A_610 : i32 to vector<16xi32>
      %eq3A_612 = arith.cmpi eq, %iota3A, %eq3A_611 : vector<16xi32>
      tpu.vector_store_idx %arg10[%shift_right_logical3A_600, %and3A_603], %broadcast_in_dim3A_483 masked %eq3A_612 {add = true} : memref<784x128xi32, #tpu.memory_space<vmem>>[vector<16xi32>, vector<16xi32>], vector<16xi32>, vector<16xi1>
      %eq3A_613 = arith.constant 3 : i32
      %eq3A_614 = vector.broadcast %eq3A_613 : i32 to vector<16xi32>
      %eq3A_615 = arith.cmpi eq, %iota3A, %eq3A_614 : vector<16xi32>
      tpu.vector_store_idx %arg10[%shift_right_logical3A_600, %and3A_603], %broadcast_in_dim3A_483 masked %eq3A_615 {add = true} : memref<784x128xi32, #tpu.memory_space<vmem>>[vector<16xi32>, vector<16xi32>], vector<16xi32>, vector<16xi1>
      %eq3A_616 = arith.constant 4 : i32
      %eq3A_617 = vector.broadcast %eq3A_616 : i32 to vector<16xi32>
      %eq3A_618 = arith.cmpi eq, %iota3A, %eq3A_617 : vector<16xi32>
      tpu.vector_store_idx %arg10[%shift_right_logical3A_600, %and3A_603], %broadcast_in_dim3A_483 masked %eq3A_618 {add = true} : memref<784x128xi32, #tpu.memory_space<vmem>>[vector<16xi32>, vector<16xi32>], vector<16xi32>, vector<16xi1>
      %eq3A_619 = arith.constant 5 : i32
      %eq3A_620 = vector.broadcast %eq3A_619 : i32 to vector<16xi32>
      %eq3A_621 = arith.cmpi eq, %iota3A, %eq3A_620 : vector<16xi32>
      tpu.vector_store_idx %arg10[%shift_right_logical3A_600, %and3A_603], %broadcast_in_dim3A_483 masked %eq3A_621 {add = true} : memref<784x128xi32, #tpu.memory_space<vmem>>[vector<16xi32>, vector<16xi32>], vector<16xi32>, vector<16xi1>
      %eq3A_622 = arith.constant 6 : i32
      %eq3A_623 = vector.broadcast %eq3A_622 : i32 to vector<16xi32>
      %eq3A_624 = arith.cmpi eq, %iota3A, %eq3A_623 : vector<16xi32>
      tpu.vector_store_idx %arg10[%shift_right_logical3A_600, %and3A_603], %broadcast_in_dim3A_483 masked %eq3A_624 {add = true} : memref<784x128xi32, #tpu.memory_space<vmem>>[vector<16xi32>, vector<16xi32>], vector<16xi32>, vector<16xi1>
      %eq3A_625 = arith.constant 7 : i32
      %eq3A_626 = vector.broadcast %eq3A_625 : i32 to vector<16xi32>
      %eq3A_627 = arith.cmpi eq, %iota3A, %eq3A_626 : vector<16xi32>
      tpu.vector_store_idx %arg10[%shift_right_logical3A_600, %and3A_603], %broadcast_in_dim3A_483 masked %eq3A_627 {add = true} : memref<784x128xi32, #tpu.memory_space<vmem>>[vector<16xi32>, vector<16xi32>], vector<16xi32>, vector<16xi1>
      %eq3A_628 = arith.constant 8 : i32
      %eq3A_629 = vector.broadcast %eq3A_628 : i32 to vector<16xi32>
      %eq3A_630 = arith.cmpi eq, %iota3A, %eq3A_629 : vector<16xi32>
      tpu.vector_store_idx %arg10[%shift_right_logical3A_600, %and3A_603], %broadcast_in_dim3A_483 masked %eq3A_630 {add = true} : memref<784x128xi32, #tpu.memory_space<vmem>>[vector<16xi32>, vector<16xi32>], vector<16xi32>, vector<16xi1>
      %eq3A_631 = arith.constant 9 : i32
      %eq3A_632 = vector.broadcast %eq3A_631 : i32 to vector<16xi32>
      %eq3A_633 = arith.cmpi eq, %iota3A, %eq3A_632 : vector<16xi32>
      tpu.vector_store_idx %arg10[%shift_right_logical3A_600, %and3A_603], %broadcast_in_dim3A_483 masked %eq3A_633 {add = true} : memref<784x128xi32, #tpu.memory_space<vmem>>[vector<16xi32>, vector<16xi32>], vector<16xi32>, vector<16xi1>
      %eq3A_634 = arith.constant 10 : i32
      %eq3A_635 = vector.broadcast %eq3A_634 : i32 to vector<16xi32>
      %eq3A_636 = arith.cmpi eq, %iota3A, %eq3A_635 : vector<16xi32>
      tpu.vector_store_idx %arg10[%shift_right_logical3A_600, %and3A_603], %broadcast_in_dim3A_483 masked %eq3A_636 {add = true} : memref<784x128xi32, #tpu.memory_space<vmem>>[vector<16xi32>, vector<16xi32>], vector<16xi32>, vector<16xi1>
      %eq3A_637 = arith.constant 11 : i32
      %eq3A_638 = vector.broadcast %eq3A_637 : i32 to vector<16xi32>
      %eq3A_639 = arith.cmpi eq, %iota3A, %eq3A_638 : vector<16xi32>
      tpu.vector_store_idx %arg10[%shift_right_logical3A_600, %and3A_603], %broadcast_in_dim3A_483 masked %eq3A_639 {add = true} : memref<784x128xi32, #tpu.memory_space<vmem>>[vector<16xi32>, vector<16xi32>], vector<16xi32>, vector<16xi1>
      %eq3A_640 = arith.constant 12 : i32
      %eq3A_641 = vector.broadcast %eq3A_640 : i32 to vector<16xi32>
      %eq3A_642 = arith.cmpi eq, %iota3A, %eq3A_641 : vector<16xi32>
      tpu.vector_store_idx %arg10[%shift_right_logical3A_600, %and3A_603], %broadcast_in_dim3A_483 masked %eq3A_642 {add = true} : memref<784x128xi32, #tpu.memory_space<vmem>>[vector<16xi32>, vector<16xi32>], vector<16xi32>, vector<16xi1>
      %eq3A_643 = arith.constant 13 : i32
      %eq3A_644 = vector.broadcast %eq3A_643 : i32 to vector<16xi32>
      %eq3A_645 = arith.cmpi eq, %iota3A, %eq3A_644 : vector<16xi32>
      tpu.vector_store_idx %arg10[%shift_right_logical3A_600, %and3A_603], %broadcast_in_dim3A_483 masked %eq3A_645 {add = true} : memref<784x128xi32, #tpu.memory_space<vmem>>[vector<16xi32>, vector<16xi32>], vector<16xi32>, vector<16xi1>
      %eq3A_646 = arith.constant 14 : i32
      %eq3A_647 = vector.broadcast %eq3A_646 : i32 to vector<16xi32>
      %eq3A_648 = arith.cmpi eq, %iota3A, %eq3A_647 : vector<16xi32>
      tpu.vector_store_idx %arg10[%shift_right_logical3A_600, %and3A_603], %broadcast_in_dim3A_483 masked %eq3A_648 {add = true} : memref<784x128xi32, #tpu.memory_space<vmem>>[vector<16xi32>, vector<16xi32>], vector<16xi32>, vector<16xi1>
      %eq3A_649 = arith.constant 15 : i32
      %eq3A_650 = vector.broadcast %eq3A_649 : i32 to vector<16xi32>
      %eq3A_651 = arith.cmpi eq, %iota3A, %eq3A_650 : vector<16xi32>
      tpu.vector_store_idx %arg10[%shift_right_logical3A_600, %and3A_603], %broadcast_in_dim3A_483 masked %eq3A_651 {add = true} : memref<784x128xi32, #tpu.memory_space<vmem>>[vector<16xi32>, vector<16xi32>], vector<16xi32>, vector<16xi1>
      %get3A_652 = arith.constant 48 : index
      %get3A_653 = tpu.vector_load %arg8[%get3A_652] {strides = array<i32>} : memref<64xi32, #tpu.memory_space<vmem>>, vector<16xi32>,
      %shift_right_logical3A_654 = arith.constant 7 : i32
      %shift_right_logical3A_655 = vector.broadcast %shift_right_logical3A_654 : i32 to vector<16xi32>
      %shift_right_logical3A_656 = arith.shrui %get3A_653, %shift_right_logical3A_655 : vector<16xi32>
      %and3A_657 = arith.constant 127 : i32
      %and3A_658 = vector.broadcast %and3A_657 : i32 to vector<16xi32>
      %and3A_659 = arith.andi %get3A_653, %and3A_658 : vector<16xi32>
      %eq3A_660 = arith.constant 0 : i32
      %eq3A_661 = vector.broadcast %eq3A_660 : i32 to vector<16xi32>
      %eq3A_662 = arith.cmpi eq, %iota3A, %eq3A_661 : vector<16xi32>
      tpu.vector_store_idx %arg10[%shift_right_logical3A_656, %and3A_659], %broadcast_in_dim3A_483 masked %eq3A_662 {add = true} : memref<784x128xi32, #tpu.memory_space<vmem>>[vector<16xi32>, vector<16xi32>], vector<16xi32>, vector<16xi1>
      %eq3A_663 = arith.constant 1 : i32
      %eq3A_664 = vector.broadcast %eq3A_663 : i32 to vector<16xi32>
      %eq3A_665 = arith.cmpi eq, %iota3A, %eq3A_664 : vector<16xi32>
      tpu.vector_store_idx %arg10[%shift_right_logical3A_656, %and3A_659], %broadcast_in_dim3A_483 masked %eq3A_665 {add = true} : memref<784x128xi32, #tpu.memory_space<vmem>>[vector<16xi32>, vector<16xi32>], vector<16xi32>, vector<16xi1>
      %eq3A_666 = arith.constant 2 : i32
      %eq3A_667 = vector.broadcast %eq3A_666 : i32 to vector<16xi32>
      %eq3A_668 = arith.cmpi eq, %iota3A, %eq3A_667 : vector<16xi32>
      tpu.vector_store_idx %arg10[%shift_right_logical3A_656, %and3A_659], %broadcast_in_dim3A_483 masked %eq3A_668 {add = true} : memref<784x128xi32, #tpu.memory_space<vmem>>[vector<16xi32>, vector<16xi32>], vector<16xi32>, vector<16xi1>
      %eq3A_669 = arith.constant 3 : i32
      %eq3A_670 = vector.broadcast %eq3A_669 : i32 to vector<16xi32>
      %eq3A_671 = arith.cmpi eq, %iota3A, %eq3A_670 : vector<16xi32>
      tpu.vector_store_idx %arg10[%shift_right_logical3A_656, %and3A_659], %broadcast_in_dim3A_483 masked %eq3A_671 {add = true} : memref<784x128xi32, #tpu.memory_space<vmem>>[vector<16xi32>, vector<16xi32>], vector<16xi32>, vector<16xi1>
      %eq3A_672 = arith.constant 4 : i32
      %eq3A_673 = vector.broadcast %eq3A_672 : i32 to vector<16xi32>
      %eq3A_674 = arith.cmpi eq, %iota3A, %eq3A_673 : vector<16xi32>
      tpu.vector_store_idx %arg10[%shift_right_logical3A_656, %and3A_659], %broadcast_in_dim3A_483 masked %eq3A_674 {add = true} : memref<784x128xi32, #tpu.memory_space<vmem>>[vector<16xi32>, vector<16xi32>], vector<16xi32>, vector<16xi1>
      %eq3A_675 = arith.constant 5 : i32
      %eq3A_676 = vector.broadcast %eq3A_675 : i32 to vector<16xi32>
      %eq3A_677 = arith.cmpi eq, %iota3A, %eq3A_676 : vector<16xi32>
      tpu.vector_store_idx %arg10[%shift_right_logical3A_656, %and3A_659], %broadcast_in_dim3A_483 masked %eq3A_677 {add = true} : memref<784x128xi32, #tpu.memory_space<vmem>>[vector<16xi32>, vector<16xi32>], vector<16xi32>, vector<16xi1>
      %eq3A_678 = arith.constant 6 : i32
      %eq3A_679 = vector.broadcast %eq3A_678 : i32 to vector<16xi32>
      %eq3A_680 = arith.cmpi eq, %iota3A, %eq3A_679 : vector<16xi32>
      tpu.vector_store_idx %arg10[%shift_right_logical3A_656, %and3A_659], %broadcast_in_dim3A_483 masked %eq3A_680 {add = true} : memref<784x128xi32, #tpu.memory_space<vmem>>[vector<16xi32>, vector<16xi32>], vector<16xi32>, vector<16xi1>
      %eq3A_681 = arith.constant 7 : i32
      %eq3A_682 = vector.broadcast %eq3A_681 : i32 to vector<16xi32>
      %eq3A_683 = arith.cmpi eq, %iota3A, %eq3A_682 : vector<16xi32>
      tpu.vector_store_idx %arg10[%shift_right_logical3A_656, %and3A_659], %broadcast_in_dim3A_483 masked %eq3A_683 {add = true} : memref<784x128xi32, #tpu.memory_space<vmem>>[vector<16xi32>, vector<16xi32>], vector<16xi32>, vector<16xi1>
      %eq3A_684 = arith.constant 8 : i32
      %eq3A_685 = vector.broadcast %eq3A_684 : i32 to vector<16xi32>
      %eq3A_686 = arith.cmpi eq, %iota3A, %eq3A_685 : vector<16xi32>
      tpu.vector_store_idx %arg10[%shift_right_logical3A_656, %and3A_659], %broadcast_in_dim3A_483 masked %eq3A_686 {add = true} : memref<784x128xi32, #tpu.memory_space<vmem>>[vector<16xi32>, vector<16xi32>], vector<16xi32>, vector<16xi1>
      %eq3A_687 = arith.constant 9 : i32
      %eq3A_688 = vector.broadcast %eq3A_687 : i32 to vector<16xi32>
      %eq3A_689 = arith.cmpi eq, %iota3A, %eq3A_688 : vector<16xi32>
      tpu.vector_store_idx %arg10[%shift_right_logical3A_656, %and3A_659], %broadcast_in_dim3A_483 masked %eq3A_689 {add = true} : memref<784x128xi32, #tpu.memory_space<vmem>>[vector<16xi32>, vector<16xi32>], vector<16xi32>, vector<16xi1>
      %eq3A_690 = arith.constant 10 : i32
      %eq3A_691 = vector.broadcast %eq3A_690 : i32 to vector<16xi32>
      %eq3A_692 = arith.cmpi eq, %iota3A, %eq3A_691 : vector<16xi32>
      tpu.vector_store_idx %arg10[%shift_right_logical3A_656, %and3A_659], %broadcast_in_dim3A_483 masked %eq3A_692 {add = true} : memref<784x128xi32, #tpu.memory_space<vmem>>[vector<16xi32>, vector<16xi32>], vector<16xi32>, vector<16xi1>
      %eq3A_693 = arith.constant 11 : i32
      %eq3A_694 = vector.broadcast %eq3A_693 : i32 to vector<16xi32>
      %eq3A_695 = arith.cmpi eq, %iota3A, %eq3A_694 : vector<16xi32>
      tpu.vector_store_idx %arg10[%shift_right_logical3A_656, %and3A_659], %broadcast_in_dim3A_483 masked %eq3A_695 {add = true} : memref<784x128xi32, #tpu.memory_space<vmem>>[vector<16xi32>, vector<16xi32>], vector<16xi32>, vector<16xi1>
      %eq3A_696 = arith.constant 12 : i32
      %eq3A_697 = vector.broadcast %eq3A_696 : i32 to vector<16xi32>
      %eq3A_698 = arith.cmpi eq, %iota3A, %eq3A_697 : vector<16xi32>
      tpu.vector_store_idx %arg10[%shift_right_logical3A_656, %and3A_659], %broadcast_in_dim3A_483 masked %eq3A_698 {add = true} : memref<784x128xi32, #tpu.memory_space<vmem>>[vector<16xi32>, vector<16xi32>], vector<16xi32>, vector<16xi1>
      %eq3A_699 = arith.constant 13 : i32
      %eq3A_700 = vector.broadcast %eq3A_699 : i32 to vector<16xi32>
      %eq3A_701 = arith.cmpi eq, %iota3A, %eq3A_700 : vector<16xi32>
      tpu.vector_store_idx %arg10[%shift_right_logical3A_656, %and3A_659], %broadcast_in_dim3A_483 masked %eq3A_701 {add = true} : memref<784x128xi32, #tpu.memory_space<vmem>>[vector<16xi32>, vector<16xi32>], vector<16xi32>, vector<16xi1>
      %eq3A_702 = arith.constant 14 : i32
      %eq3A_703 = vector.broadcast %eq3A_702 : i32 to vector<16xi32>
      %eq3A_704 = arith.cmpi eq, %iota3A, %eq3A_703 : vector<16xi32>
      tpu.vector_store_idx %arg10[%shift_right_logical3A_656, %and3A_659], %broadcast_in_dim3A_483 masked %eq3A_704 {add = true} : memref<784x128xi32, #tpu.memory_space<vmem>>[vector<16xi32>, vector<16xi32>], vector<16xi32>, vector<16xi1>
      %eq3A_705 = arith.constant 15 : i32
      %eq3A_706 = vector.broadcast %eq3A_705 : i32 to vector<16xi32>
      %eq3A_707 = arith.cmpi eq, %iota3A, %eq3A_706 : vector<16xi32>
      tpu.vector_store_idx %arg10[%shift_right_logical3A_656, %and3A_659], %broadcast_in_dim3A_483 masked %eq3A_707 {add = true} : memref<784x128xi32, #tpu.memory_space<vmem>>[vector<16xi32>, vector<16xi32>], vector<16xi32>, vector<16xi1>
    } else {
    }
    %run_scoped3A = arith.constant 0 : i32
    "tpu.region"() ({
      %run_scoped3A_482 = tpu.sem_alloc : memref<!tpu.dma_semaphore, #tpu.memory_space<semaphore_mem>>
      %dma_start3A_483 = arith.constant 0 : i32
      %dma_start3A_484 = arith.constant 0 : i32
      %dma_start3A_485 = tpu.memref_slice %arg10[%dma_start3A_483, %dma_start3A_484] : memref<784x128xi32, #tpu.memory_space<vmem>> -> memref<112x128xi32, #tpu.memory_space<vmem>>
      %dma_start3A_486 = arith.constant 0 : i32
      %dma_start3A_487 = tpu.memref_slice %arg9[%run_scoped3A, %dma_start3A_486] : memref<7x112xi32, #tpu.memory_space<vmem>> -> memref<1x112xi32, #tpu.memory_space<vmem>>
      %dma_start3A_488 = tpu.memref_squeeze %dma_start3A_487 : memref<1x112xi32, #tpu.memory_space<vmem>> -> memref<112xi32, #tpu.memory_space<vmem>>
      %dma_start3A_489 = arith.constant 0 : i32
      %dma_start3A_490 = arith.constant 0 : i32
      %dma_start3A_491 = tpu.memref_slice %arg11[%dma_start3A_489, %dma_start3A_490] : memref<784x128xi32, #tpu.memory_space<vmem_shared>> -> memref<784x128xi32, #tpu.memory_space<vmem_shared>>
      tpu.enqueue_indirect_dma source(%dma_start3A_485 : memref<112x128xi32, #tpu.memory_space<vmem>>) target(%dma_start3A_491 : memref<784x128xi32, #tpu.memory_space<vmem_shared>>) offsets(%dma_start3A_488 : memref<112xi32, #tpu.memory_space<vmem>>) semaphore(%run_scoped3A_482 : memref<!tpu.dma_semaphore, #tpu.memory_space<semaphore_mem>>) {add = true}
      %dma_wait3A = arith.constant 0 : i32
      %dma_wait3A_492 = arith.constant 0 : i32
      %dma_wait3A_493 = tpu.memref_slice %arg10[%dma_wait3A, %dma_wait3A_492] : memref<784x128xi32, #tpu.memory_space<vmem>> -> memref<112x128xi32, #tpu.memory_space<vmem>>
      %dma_wait3A_494 = arith.constant 0 : i32
      %dma_wait3A_495 = tpu.memref_slice %arg9[%run_scoped3A, %dma_wait3A_494] : memref<7x112xi32, #tpu.memory_space<vmem>> -> memref<1x112xi32, #tpu.memory_space<vmem>>
      %dma_wait3A_496 = tpu.memref_squeeze %dma_wait3A_495 : memref<1x112xi32, #tpu.memory_space<vmem>> -> memref<112xi32, #tpu.memory_space<vmem>>
      %dma_wait3A_497 = arith.constant 0 : i32
      %dma_wait3A_498 = arith.constant 0 : i32
      %dma_wait3A_499 = tpu.memref_slice %arg11[%dma_wait3A_497, %dma_wait3A_498] : memref<784x128xi32, #tpu.memory_space<vmem_shared>> -> memref<784x128xi32, #tpu.memory_space<vmem_shared>>
      tpu.wait_indirect_dma semaphore(%run_scoped3A_482 : memref<!tpu.dma_semaphore, #tpu.memory_space<semaphore_mem>>) src(%dma_wait3A_493 : memref<112x128xi32, #tpu.memory_space<vmem>>) dst(%dma_wait3A_499 : memref<784x128xi32, #tpu.memory_space<vmem_shared>>)
      tpu.yield
    }) : () -> ()
    %run_scoped3A_470 = arith.constant 1 : i32
    "tpu.region"() ({
      %run_scoped3A_482 = tpu.sem_alloc : memref<!tpu.dma_semaphore, #tpu.memory_space<semaphore_mem>>
      %dma_start3A_483 = arith.constant 112 : i32
      %dma_start3A_484 = arith.constant 0 : i32
      %dma_start3A_485 = tpu.memref_slice %arg10[%dma_start3A_483, %dma_start3A_484] : memref<784x128xi32, #tpu.memory_space<vmem>> -> memref<112x128xi32, #tpu.memory_space<vmem>>
      %dma_start3A_486 = arith.constant 0 : i32
      %dma_start3A_487 = tpu.memref_slice %arg9[%run_scoped3A_470, %dma_start3A_486] : memref<7x112xi32, #tpu.memory_space<vmem>> -> memref<1x112xi32, #tpu.memory_space<vmem>>
      %dma_start3A_488 = tpu.memref_squeeze %dma_start3A_487 : memref<1x112xi32, #tpu.memory_space<vmem>> -> memref<112xi32, #tpu.memory_space<vmem>>
      %dma_start3A_489 = arith.constant 0 : i32
      %dma_start3A_490 = arith.constant 0 : i32
      %dma_start3A_491 = tpu.memref_slice %arg11[%dma_start3A_489, %dma_start3A_490] : memref<784x128xi32, #tpu.memory_space<vmem_shared>> -> memref<784x128xi32, #tpu.memory_space<vmem_shared>>
      tpu.enqueue_indirect_dma source(%dma_start3A_485 : memref<112x128xi32, #tpu.memory_space<vmem>>) target(%dma_start3A_491 : memref<784x128xi32, #tpu.memory_space<vmem_shared>>) offsets(%dma_start3A_488 : memref<112xi32, #tpu.memory_space<vmem>>) semaphore(%run_scoped3A_482 : memref<!tpu.dma_semaphore, #tpu.memory_space<semaphore_mem>>) {add = true}
      %dma_wait3A = arith.constant 112 : i32
      %dma_wait3A_492 = arith.constant 0 : i32
      %dma_wait3A_493 = tpu.memref_slice %arg10[%dma_wait3A, %dma_wait3A_492] : memref<784x128xi32, #tpu.memory_space<vmem>> -> memref<112x128xi32, #tpu.memory_space<vmem>>
      %dma_wait3A_494 = arith.constant 0 : i32
      %dma_wait3A_495 = tpu.memref_slice %arg9[%run_scoped3A_470, %dma_wait3A_494] : memref<7x112xi32, #tpu.memory_space<vmem>> -> memref<1x112xi32, #tpu.memory_space<vmem>>
      %dma_wait3A_496 = tpu.memref_squeeze %dma_wait3A_495 : memref<1x112xi32, #tpu.memory_space<vmem>> -> memref<112xi32, #tpu.memory_space<vmem>>
      %dma_wait3A_497 = arith.constant 0 : i32
      %dma_wait3A_498 = arith.constant 0 : i32
      %dma_wait3A_499 = tpu.memref_slice %arg11[%dma_wait3A_497, %dma_wait3A_498] : memref<784x128xi32, #tpu.memory_space<vmem_shared>> -> memref<784x128xi32, #tpu.memory_space<vmem_shared>>
      tpu.wait_indirect_dma semaphore(%run_scoped3A_482 : memref<!tpu.dma_semaphore, #tpu.memory_space<semaphore_mem>>) src(%dma_wait3A_493 : memref<112x128xi32, #tpu.memory_space<vmem>>) dst(%dma_wait3A_499 : memref<784x128xi32, #tpu.memory_space<vmem_shared>>)
      tpu.yield
    }) : () -> ()
    %run_scoped3A_471 = arith.constant 2 : i32
    "tpu.region"() ({
      %run_scoped3A_482 = tpu.sem_alloc : memref<!tpu.dma_semaphore, #tpu.memory_space<semaphore_mem>>
      %dma_start3A_483 = arith.constant 224 : i32
      %dma_start3A_484 = arith.constant 0 : i32
      %dma_start3A_485 = tpu.memref_slice %arg10[%dma_start3A_483, %dma_start3A_484] : memref<784x128xi32, #tpu.memory_space<vmem>> -> memref<112x128xi32, #tpu.memory_space<vmem>>
      %dma_start3A_486 = arith.constant 0 : i32
      %dma_start3A_487 = tpu.memref_slice %arg9[%run_scoped3A_471, %dma_start3A_486] : memref<7x112xi32, #tpu.memory_space<vmem>> -> memref<1x112xi32, #tpu.memory_space<vmem>>
      %dma_start3A_488 = tpu.memref_squeeze %dma_start3A_487 : memref<1x112xi32, #tpu.memory_space<vmem>> -> memref<112xi32, #tpu.memory_space<vmem>>
      %dma_start3A_489 = arith.constant 0 : i32
      %dma_start3A_490 = arith.constant 0 : i32
      %dma_start3A_491 = tpu.memref_slice %arg11[%dma_start3A_489, %dma_start3A_490] : memref<784x128xi32, #tpu.memory_space<vmem_shared>> -> memref<784x128xi32, #tpu.memory_space<vmem_shared>>
      tpu.enqueue_indirect_dma source(%dma_start3A_485 : memref<112x128xi32, #tpu.memory_space<vmem>>) target(%dma_start3A_491 : memref<784x128xi32, #tpu.memory_space<vmem_shared>>) offsets(%dma_start3A_488 : memref<112xi32, #tpu.memory_space<vmem>>) semaphore(%run_scoped3A_482 : memref<!tpu.dma_semaphore, #tpu.memory_space<semaphore_mem>>) {add = true}
      %dma_wait3A = arith.constant 224 : i32
      %dma_wait3A_492 = arith.constant 0 : i32
      %dma_wait3A_493 = tpu.memref_slice %arg10[%dma_wait3A, %dma_wait3A_492] : memref<784x128xi32, #tpu.memory_space<vmem>> -> memref<112x128xi32, #tpu.memory_space<vmem>>
      %dma_wait3A_494 = arith.constant 0 : i32
      %dma_wait3A_495 = tpu.memref_slice %arg9[%run_scoped3A_471, %dma_wait3A_494] : memref<7x112xi32, #tpu.memory_space<vmem>> -> memref<1x112xi32, #tpu.memory_space<vmem>>
      %dma_wait3A_496 = tpu.memref_squeeze %dma_wait3A_495 : memref<1x112xi32, #tpu.memory_space<vmem>> -> memref<112xi32, #tpu.memory_space<vmem>>
      %dma_wait3A_497 = arith.constant 0 : i32
      %dma_wait3A_498 = arith.constant 0 : i32
      %dma_wait3A_499 = tpu.memref_slice %arg11[%dma_wait3A_497, %dma_wait3A_498] : memref<784x128xi32, #tpu.memory_space<vmem_shared>> -> memref<784x128xi32, #tpu.memory_space<vmem_shared>>
      tpu.wait_indirect_dma semaphore(%run_scoped3A_482 : memref<!tpu.dma_semaphore, #tpu.memory_space<semaphore_mem>>) src(%dma_wait3A_493 : memref<112x128xi32, #tpu.memory_space<vmem>>) dst(%dma_wait3A_499 : memref<784x128xi32, #tpu.memory_space<vmem_shared>>)
      tpu.yield
    }) : () -> ()
    %run_scoped3A_472 = arith.constant 3 : i32
    "tpu.region"() ({
      %run_scoped3A_482 = tpu.sem_alloc : memref<!tpu.dma_semaphore, #tpu.memory_space<semaphore_mem>>
      %dma_start3A_483 = arith.constant 336 : i32
      %dma_start3A_484 = arith.constant 0 : i32
      %dma_start3A_485 = tpu.memref_slice %arg10[%dma_start3A_483, %dma_start3A_484] : memref<784x128xi32, #tpu.memory_space<vmem>> -> memref<112x128xi32, #tpu.memory_space<vmem>>
      %dma_start3A_486 = arith.constant 0 : i32
      %dma_start3A_487 = tpu.memref_slice %arg9[%run_scoped3A_472, %dma_start3A_486] : memref<7x112xi32, #tpu.memory_space<vmem>> -> memref<1x112xi32, #tpu.memory_space<vmem>>
      %dma_start3A_488 = tpu.memref_squeeze %dma_start3A_487 : memref<1x112xi32, #tpu.memory_space<vmem>> -> memref<112xi32, #tpu.memory_space<vmem>>
      %dma_start3A_489 = arith.constant 0 : i32
      %dma_start3A_490 = arith.constant 0 : i32
      %dma_start3A_491 = tpu.memref_slice %arg11[%dma_start3A_489, %dma_start3A_490] : memref<784x128xi32, #tpu.memory_space<vmem_shared>> -> memref<784x128xi32, #tpu.memory_space<vmem_shared>>
      tpu.enqueue_indirect_dma source(%dma_start3A_485 : memref<112x128xi32, #tpu.memory_space<vmem>>) target(%dma_start3A_491 : memref<784x128xi32, #tpu.memory_space<vmem_shared>>) offsets(%dma_start3A_488 : memref<112xi32, #tpu.memory_space<vmem>>) semaphore(%run_scoped3A_482 : memref<!tpu.dma_semaphore, #tpu.memory_space<semaphore_mem>>) {add = true}
      %dma_wait3A = arith.constant 336 : i32
      %dma_wait3A_492 = arith.constant 0 : i32
      %dma_wait3A_493 = tpu.memref_slice %arg10[%dma_wait3A, %dma_wait3A_492] : memref<784x128xi32, #tpu.memory_space<vmem>> -> memref<112x128xi32, #tpu.memory_space<vmem>>
      %dma_wait3A_494 = arith.constant 0 : i32
      %dma_wait3A_495 = tpu.memref_slice %arg9[%run_scoped3A_472, %dma_wait3A_494] : memref<7x112xi32, #tpu.memory_space<vmem>> -> memref<1x112xi32, #tpu.memory_space<vmem>>
      %dma_wait3A_496 = tpu.memref_squeeze %dma_wait3A_495 : memref<1x112xi32, #tpu.memory_space<vmem>> -> memref<112xi32, #tpu.memory_space<vmem>>
      %dma_wait3A_497 = arith.constant 0 : i32
      %dma_wait3A_498 = arith.constant 0 : i32
      %dma_wait3A_499 = tpu.memref_slice %arg11[%dma_wait3A_497, %dma_wait3A_498] : memref<784x128xi32, #tpu.memory_space<vmem_shared>> -> memref<784x128xi32, #tpu.memory_space<vmem_shared>>
      tpu.wait_indirect_dma semaphore(%run_scoped3A_482 : memref<!tpu.dma_semaphore, #tpu.memory_space<semaphore_mem>>) src(%dma_wait3A_493 : memref<112x128xi32, #tpu.memory_space<vmem>>) dst(%dma_wait3A_499 : memref<784x128xi32, #tpu.memory_space<vmem_shared>>)
      tpu.yield
    }) : () -> ()
    %run_scoped3A_473 = arith.constant 4 : i32
    "tpu.region"() ({
      %run_scoped3A_482 = tpu.sem_alloc : memref<!tpu.dma_semaphore, #tpu.memory_space<semaphore_mem>>
      %dma_start3A_483 = arith.constant 448 : i32
      %dma_start3A_484 = arith.constant 0 : i32
      %dma_start3A_485 = tpu.memref_slice %arg10[%dma_start3A_483, %dma_start3A_484] : memref<784x128xi32, #tpu.memory_space<vmem>> -> memref<112x128xi32, #tpu.memory_space<vmem>>
      %dma_start3A_486 = arith.constant 0 : i32
      %dma_start3A_487 = tpu.memref_slice %arg9[%run_scoped3A_473, %dma_start3A_486] : memref<7x112xi32, #tpu.memory_space<vmem>> -> memref<1x112xi32, #tpu.memory_space<vmem>>
      %dma_start3A_488 = tpu.memref_squeeze %dma_start3A_487 : memref<1x112xi32, #tpu.memory_space<vmem>> -> memref<112xi32, #tpu.memory_space<vmem>>
      %dma_start3A_489 = arith.constant 0 : i32
      %dma_start3A_490 = arith.constant 0 : i32
      %dma_start3A_491 = tpu.memref_slice %arg11[%dma_start3A_489, %dma_start3A_490] : memref<784x128xi32, #tpu.memory_space<vmem_shared>> -> memref<784x128xi32, #tpu.memory_space<vmem_shared>>
      tpu.enqueue_indirect_dma source(%dma_start3A_485 : memref<112x128xi32, #tpu.memory_space<vmem>>) target(%dma_start3A_491 : memref<784x128xi32, #tpu.memory_space<vmem_shared>>) offsets(%dma_start3A_488 : memref<112xi32, #tpu.memory_space<vmem>>) semaphore(%run_scoped3A_482 : memref<!tpu.dma_semaphore, #tpu.memory_space<semaphore_mem>>) {add = true}
      %dma_wait3A = arith.constant 448 : i32
      %dma_wait3A_492 = arith.constant 0 : i32
      %dma_wait3A_493 = tpu.memref_slice %arg10[%dma_wait3A, %dma_wait3A_492] : memref<784x128xi32, #tpu.memory_space<vmem>> -> memref<112x128xi32, #tpu.memory_space<vmem>>
      %dma_wait3A_494 = arith.constant 0 : i32
      %dma_wait3A_495 = tpu.memref_slice %arg9[%run_scoped3A_473, %dma_wait3A_494] : memref<7x112xi32, #tpu.memory_space<vmem>> -> memref<1x112xi32, #tpu.memory_space<vmem>>
      %dma_wait3A_496 = tpu.memref_squeeze %dma_wait3A_495 : memref<1x112xi32, #tpu.memory_space<vmem>> -> memref<112xi32, #tpu.memory_space<vmem>>
      %dma_wait3A_497 = arith.constant 0 : i32
      %dma_wait3A_498 = arith.constant 0 : i32
      %dma_wait3A_499 = tpu.memref_slice %arg11[%dma_wait3A_497, %dma_wait3A_498] : memref<784x128xi32, #tpu.memory_space<vmem_shared>> -> memref<784x128xi32, #tpu.memory_space<vmem_shared>>
      tpu.wait_indirect_dma semaphore(%run_scoped3A_482 : memref<!tpu.dma_semaphore, #tpu.memory_space<semaphore_mem>>) src(%dma_wait3A_493 : memref<112x128xi32, #tpu.memory_space<vmem>>) dst(%dma_wait3A_499 : memref<784x128xi32, #tpu.memory_space<vmem_shared>>)
      tpu.yield
    }) : () -> ()
    %run_scoped3A_474 = arith.constant 5 : i32
    "tpu.region"() ({
      %run_scoped3A_482 = tpu.sem_alloc : memref<!tpu.dma_semaphore, #tpu.memory_space<semaphore_mem>>
      %dma_start3A_483 = arith.constant 560 : i32
      %dma_start3A_484 = arith.constant 0 : i32
      %dma_start3A_485 = tpu.memref_slice %arg10[%dma_start3A_483, %dma_start3A_484] : memref<784x128xi32, #tpu.memory_space<vmem>> -> memref<112x128xi32, #tpu.memory_space<vmem>>
      %dma_start3A_486 = arith.constant 0 : i32
      %dma_start3A_487 = tpu.memref_slice %arg9[%run_scoped3A_474, %dma_start3A_486] : memref<7x112xi32, #tpu.memory_space<vmem>> -> memref<1x112xi32, #tpu.memory_space<vmem>>
      %dma_start3A_488 = tpu.memref_squeeze %dma_start3A_487 : memref<1x112xi32, #tpu.memory_space<vmem>> -> memref<112xi32, #tpu.memory_space<vmem>>
      %dma_start3A_489 = arith.constant 0 : i32
      %dma_start3A_490 = arith.constant 0 : i32
      %dma_start3A_491 = tpu.memref_slice %arg11[%dma_start3A_489, %dma_start3A_490] : memref<784x128xi32, #tpu.memory_space<vmem_shared>> -> memref<784x128xi32, #tpu.memory_space<vmem_shared>>
      tpu.enqueue_indirect_dma source(%dma_start3A_485 : memref<112x128xi32, #tpu.memory_space<vmem>>) target(%dma_start3A_491 : memref<784x128xi32, #tpu.memory_space<vmem_shared>>) offsets(%dma_start3A_488 : memref<112xi32, #tpu.memory_space<vmem>>) semaphore(%run_scoped3A_482 : memref<!tpu.dma_semaphore, #tpu.memory_space<semaphore_mem>>) {add = true}
      %dma_wait3A = arith.constant 560 : i32
      %dma_wait3A_492 = arith.constant 0 : i32
      %dma_wait3A_493 = tpu.memref_slice %arg10[%dma_wait3A, %dma_wait3A_492] : memref<784x128xi32, #tpu.memory_space<vmem>> -> memref<112x128xi32, #tpu.memory_space<vmem>>
      %dma_wait3A_494 = arith.constant 0 : i32
      %dma_wait3A_495 = tpu.memref_slice %arg9[%run_scoped3A_474, %dma_wait3A_494] : memref<7x112xi32, #tpu.memory_space<vmem>> -> memref<1x112xi32, #tpu.memory_space<vmem>>
      %dma_wait3A_496 = tpu.memref_squeeze %dma_wait3A_495 : memref<1x112xi32, #tpu.memory_space<vmem>> -> memref<112xi32, #tpu.memory_space<vmem>>
      %dma_wait3A_497 = arith.constant 0 : i32
      %dma_wait3A_498 = arith.constant 0 : i32
      %dma_wait3A_499 = tpu.memref_slice %arg11[%dma_wait3A_497, %dma_wait3A_498] : memref<784x128xi32, #tpu.memory_space<vmem_shared>> -> memref<784x128xi32, #tpu.memory_space<vmem_shared>>
      tpu.wait_indirect_dma semaphore(%run_scoped3A_482 : memref<!tpu.dma_semaphore, #tpu.memory_space<semaphore_mem>>) src(%dma_wait3A_493 : memref<112x128xi32, #tpu.memory_space<vmem>>) dst(%dma_wait3A_499 : memref<784x128xi32, #tpu.memory_space<vmem_shared>>)
      tpu.yield
    }) : () -> ()
    %run_scoped3A_475 = arith.constant 6 : i32
    "tpu.region"() ({
      %run_scoped3A_482 = tpu.sem_alloc : memref<!tpu.dma_semaphore, #tpu.memory_space<semaphore_mem>>
      %dma_start3A_483 = arith.constant 672 : i32
      %dma_start3A_484 = arith.constant 0 : i32
      %dma_start3A_485 = tpu.memref_slice %arg10[%dma_start3A_483, %dma_start3A_484] : memref<784x128xi32, #tpu.memory_space<vmem>> -> memref<112x128xi32, #tpu.memory_space<vmem>>
      %dma_start3A_486 = arith.constant 0 : i32
      %dma_start3A_487 = tpu.memref_slice %arg9[%run_scoped3A_475, %dma_start3A_486] : memref<7x112xi32, #tpu.memory_space<vmem>> -> memref<1x112xi32, #tpu.memory_space<vmem>>
      %dma_start3A_488 = tpu.memref_squeeze %dma_start3A_487 : memref<1x112xi32, #tpu.memory_space<vmem>> -> memref<112xi32, #tpu.memory_space<vmem>>
      %dma_start3A_489 = arith.constant 0 : i32
      %dma_start3A_490 = arith.constant 0 : i32
      %dma_start3A_491 = tpu.memref_slice %arg11[%dma_start3A_489, %dma_start3A_490] : memref<784x128xi32, #tpu.memory_space<vmem_shared>> -> memref<784x128xi32, #tpu.memory_space<vmem_shared>>
      tpu.enqueue_indirect_dma source(%dma_start3A_485 : memref<112x128xi32, #tpu.memory_space<vmem>>) target(%dma_start3A_491 : memref<784x128xi32, #tpu.memory_space<vmem_shared>>) offsets(%dma_start3A_488 : memref<112xi32, #tpu.memory_space<vmem>>) semaphore(%run_scoped3A_482 : memref<!tpu.dma_semaphore, #tpu.memory_space<semaphore_mem>>) {add = true}
      %dma_wait3A = arith.constant 672 : i32
      %dma_wait3A_492 = arith.constant 0 : i32
      %dma_wait3A_493 = tpu.memref_slice %arg10[%dma_wait3A, %dma_wait3A_492] : memref<784x128xi32, #tpu.memory_space<vmem>> -> memref<112x128xi32, #tpu.memory_space<vmem>>
      %dma_wait3A_494 = arith.constant 0 : i32
      %dma_wait3A_495 = tpu.memref_slice %arg9[%run_scoped3A_475, %dma_wait3A_494] : memref<7x112xi32, #tpu.memory_space<vmem>> -> memref<1x112xi32, #tpu.memory_space<vmem>>
      %dma_wait3A_496 = tpu.memref_squeeze %dma_wait3A_495 : memref<1x112xi32, #tpu.memory_space<vmem>> -> memref<112xi32, #tpu.memory_space<vmem>>
      %dma_wait3A_497 = arith.constant 0 : i32
      %dma_wait3A_498 = arith.constant 0 : i32
      %dma_wait3A_499 = tpu.memref_slice %arg11[%dma_wait3A_497, %dma_wait3A_498] : memref<784x128xi32, #tpu.memory_space<vmem_shared>> -> memref<784x128xi32, #tpu.memory_space<vmem_shared>>
      tpu.wait_indirect_dma semaphore(%run_scoped3A_482 : memref<!tpu.dma_semaphore, #tpu.memory_space<semaphore_mem>>) src(%dma_wait3A_493 : memref<112x128xi32, #tpu.memory_space<vmem>>) dst(%dma_wait3A_499 : memref<784x128xi32, #tpu.memory_space<vmem_shared>>)
      tpu.yield
    }) : () -> ()
    %barrier3A_476 = arith.constant 0 : index
    tpu.barrier barrier_id(%barrier3A_476)
    %eq3A_477 = arith.constant 0 : i32
    %eq3A_478 = arith.cmpi eq, %arg1, %eq3A_477 : i32
    %convert_element_type3A_479 = arith.extui %eq3A_478 : i1 to i32
    %cond3A_480 = arith.constant 0 : i32
    %cond3A_481 = arith.cmpi ne, %convert_element_type3A_479, %cond3A_480 : i32
    scf.if %cond3A_481 {
      "tpu.region"() ({
        %run_scoped3A_482 = tpu.sem_alloc : memref<!tpu.dma_semaphore, #tpu.memory_space<semaphore_mem>>
        %dma_start3A_483 = arith.constant 0 : i32
        %dma_start3A_484 = arith.constant 0 : i32
        %dma_start3A_485 = tpu.memref_slice %arg4[%arg0, %dma_start3A_483, %dma_start3A_484] : memref<2x784x128xi32, #tpu.memory_space<hbm>> -> memref<1x784x128xi32, #tpu.memory_space<hbm>>
        %dma_start3A_486 = tpu.memref_squeeze %dma_start3A_485 : memref<1x784x128xi32, #tpu.memory_space<hbm>> -> memref<784x128xi32, #tpu.memory_space<hbm>>
        tpu.enqueue_dma source(%arg11 : memref<784x128xi32, #tpu.memory_space<vmem_shared>>) target(%dma_start3A_486 : memref<784x128xi32, #tpu.memory_space<hbm>>) target_semaphore(%run_scoped3A_482 : memref<!tpu.dma_semaphore, #tpu.memory_space<semaphore_mem>>)
        %dma_wait3A = arith.constant 0 : i32
        %dma_wait3A_487 = arith.constant 0 : i32
        %dma_wait3A_488 = tpu.memref_slice %arg4[%arg0, %dma_wait3A, %dma_wait3A_487] : memref<2x784x128xi32, #tpu.memory_space<hbm>> -> memref<1x784x128xi32, #tpu.memory_space<hbm>>
        %dma_wait3A_489 = tpu.memref_squeeze %dma_wait3A_488 : memref<1x784x128xi32, #tpu.memory_space<hbm>> -> memref<784x128xi32, #tpu.memory_space<hbm>>
        tpu.wait_dma2 semaphore(%run_scoped3A_482 : memref<!tpu.dma_semaphore, #tpu.memory_space<semaphore_mem>>) src(%arg11 : memref<784x128xi32, #tpu.memory_space<vmem_shared>>) dst(%dma_wait3A_489 : memref<784x128xi32, #tpu.memory_space<hbm>>)
        tpu.yield
      }) : () -> ()
    } else {
    }
    return
  }
}

module attributes {stable_mosaic.version = 14 : i64} {
  func.func @_tc_pre_body(%arg0: memref<784x128xf32, #tpu.memory_space<vmem>>, %arg1: memref<784x128xf32, #tpu.memory_space<vmem>>, %arg2: memref<784x128xf32, #tpu.memory_space<vmem>>) attributes {dimension_semantics = [], scalar_prefetch = 0 : i64, scratch_operands = 0 : i64, tpu.core_type = #tpu.core_type<tc>} {
    %get3A = arith.constant 0 : index
    %get3A_0 = arith.constant 0 : index
    %get3A_1 = vector.load %arg0[%get3A, %get3A_0] : memref<784x128xf32, #tpu.memory_space<vmem>>, vector<784x128xf32>
    %neg3A = arith.constant 0.000000e+00 : f32
    %neg3A_2 = vector.broadcast %neg3A : f32 to vector<784x128xf32>
    %neg3A_3 = arith.subf %neg3A_2, %get3A_1 : vector<784x128xf32>
    %exp3A = math.exp %neg3A_3 : vector<784x128xf32>
    %add3A = arith.constant 1.000000e+00 : f32
    %add3A_4 = vector.broadcast %add3A : f32 to vector<784x128xf32>
    %add3A_5 = arith.addf %add3A_4, %exp3A : vector<784x128xf32>
    %div3A = arith.constant 1.000000e+00 : f32
    %div3A_6 = vector.broadcast %div3A : f32 to vector<784x128xf32>
    %div3A_7 = arith.divf %div3A_6, %add3A_5 : vector<784x128xf32>
    %jit3A = arith.constant 9.99999997E-7 : f32
    %jit3A_8 = arith.constant 0.999998986 : f32
    %max3A = vector.broadcast %jit3A : f32 to vector<784x128xf32>
    %max3A_9 = arith.maximumf %max3A, %div3A_7 : vector<784x128xf32>
    %min3A = vector.broadcast %jit3A_8 : f32 to vector<784x128xf32>
    %min3A_10 = arith.minimumf %min3A, %max3A_9 : vector<784x128xf32>
    %abs3A = math.absf %get3A_1 : vector<784x128xf32>
    %neg3A_11 = arith.constant 0.000000e+00 : f32
    %neg3A_12 = vector.broadcast %neg3A_11 : f32 to vector<784x128xf32>
    %neg3A_13 = arith.subf %neg3A_12, %abs3A : vector<784x128xf32>
    %exp3A_14 = math.exp %neg3A_13 : vector<784x128xf32>
    %log1p3A = math.log1p %exp3A_14 : vector<784x128xf32>
    %max3A_15 = arith.constant 0.000000e+00 : f32
    %max3A_16 = vector.broadcast %max3A_15 : f32 to vector<784x128xf32>
    %max3A_17 = arith.maximumf %get3A_1, %max3A_16 : vector<784x128xf32>
    %add3A_18 = arith.addf %max3A_17, %log1p3A : vector<784x128xf32>
    %sub3A = arith.subf %add3A_18, %get3A_1 : vector<784x128xf32>
    %sqrt3A = math.sqrt %min3A_10 : vector<784x128xf32>
    %mul3A = arith.constant 7.500000e-01 : f32
    %mul3A_19 = vector.broadcast %mul3A : f32 to vector<784x128xf32>
    %mul3A_20 = arith.mulf %mul3A_19, %sqrt3A : vector<784x128xf32>
    %mul3A_21 = arith.mulf %add3A_18, %mul3A_20 : vector<784x128xf32>
    %swap3A = arith.constant 0 : index
    %swap3A_22 = arith.constant 0 : index
    %swap3A_23 = vector.load %arg1[%swap3A, %swap3A_22] : memref<784x128xf32, #tpu.memory_space<vmem>>, vector<784x128xf32>
    tpu.vector_store %arg1[%swap3A, %swap3A_22], %mul3A_21 {strides = array<i32>} : memref<784x128xf32, #tpu.memory_space<vmem>>, vector<784x128xf32>,
    %sub3A_24 = arith.constant 1.000000e+00 : f32
    %sub3A_25 = vector.broadcast %sub3A_24 : f32 to vector<784x128xf32>
    %sub3A_26 = arith.subf %sub3A_25, %min3A_10 : vector<784x128xf32>
    %sqrt3A_27 = math.sqrt %sub3A_26 : vector<784x128xf32>
    %mul3A_28 = arith.constant 2.500000e-01 : f32
    %mul3A_29 = vector.broadcast %mul3A_28 : f32 to vector<784x128xf32>
    %mul3A_30 = arith.mulf %mul3A_29, %sqrt3A_27 : vector<784x128xf32>
    %mul3A_31 = arith.mulf %sub3A, %mul3A_30 : vector<784x128xf32>
    %swap3A_32 = arith.constant 0 : index
    %swap3A_33 = arith.constant 0 : index
    %swap3A_34 = vector.load %arg2[%swap3A_32, %swap3A_33] : memref<784x128xf32, #tpu.memory_space<vmem>>, vector<784x128xf32>
    tpu.vector_store %arg2[%swap3A_32, %swap3A_33], %mul3A_31 {strides = array<i32>} : memref<784x128xf32, #tpu.memory_space<vmem>>, vector<784x128xf32>,
    return
  }
}

module attributes {stable_mosaic.version = 14 : i64} {
  func.func @_tc_reduce_body(%arg0: memref<2x784x128xi32, #tpu.memory_space<vmem>>, %arg1: memref<784x128xf32, #tpu.memory_space<vmem>>, %arg2: memref<784x128xf32, #tpu.memory_space<vmem>>, %arg3: memref<1x1xf32, #tpu.memory_space<smem>>) attributes {dimension_semantics = [], scalar_prefetch = 0 : i64, scratch_operands = 0 : i64, tpu.core_type = #tpu.core_type<tc>} {
    %get3A = arith.constant 0 : index
    %get3A_0 = arith.constant 0 : index
    %get3A_1 = arith.constant 0 : index
    %get3A_2 = vector.load %arg0[%get3A, %get3A_0, %get3A_1] : memref<2x784x128xi32, #tpu.memory_space<vmem>>, vector<1x784x128xi32>
    %get3A_3 = vector.shape_cast %get3A_2 : vector<1x784x128xi32> to vector<784x128xi32>
    %get3A_4 = arith.constant 1 : index
    %get3A_5 = arith.constant 0 : index
    %get3A_6 = arith.constant 0 : index
    %get3A_7 = vector.load %arg0[%get3A_4, %get3A_5, %get3A_6] : memref<2x784x128xi32, #tpu.memory_space<vmem>>, vector<1x784x128xi32>
    %get3A_8 = vector.shape_cast %get3A_7 : vector<1x784x128xi32> to vector<784x128xi32>
    %add3A = arith.addi %get3A_3, %get3A_8 : vector<784x128xi32>
    %shift_right_logical3A = arith.constant 24 : i32
    %shift_right_logical3A_9 = vector.broadcast %shift_right_logical3A : i32 to vector<784x128xi32>
    %shift_right_logical3A_10 = arith.shrui %add3A, %shift_right_logical3A_9 : vector<784x128xi32>
    %and3A = arith.constant 16777215 : i32
    %and3A_11 = vector.broadcast %and3A : i32 to vector<784x128xi32>
    %and3A_12 = arith.andi %add3A, %and3A_11 : vector<784x128xi32>
    %gt3A = arith.constant 0 : i32
    %gt3A_13 = vector.broadcast %gt3A : i32 to vector<784x128xi32>
    %gt3A_14 = arith.cmpi sgt, %and3A_12, %gt3A_13 : vector<784x128xi32>
    %eq3A = arith.constant 0 : i32
    %eq3A_15 = vector.broadcast %eq3A : i32 to vector<784x128xi32>
    %eq3A_16 = arith.cmpi eq, %shift_right_logical3A_10, %eq3A_15 : vector<784x128xi32>
    %and3A_17 = arith.andi %gt3A_14, %eq3A_16 : vector<784x128xi1>
    %get3A_18 = arith.constant 0 : index
    %get3A_19 = arith.constant 0 : index
    %get3A_20 = vector.load %arg1[%get3A_18, %get3A_19] : memref<784x128xf32, #tpu.memory_space<vmem>>, vector<784x128xf32>
    %jit3A = arith.constant 0.000000e+00 : f32
    %broadcast_in_dim3A = vector.broadcast %jit3A : f32 to vector<784x128xf32>
    %select_n3A = arith.select %and3A_17, %get3A_20, %broadcast_in_dim3A : vector<784x128xi1>, vector<784x128xf32>
    %reduce_sum3A = vector.shape_cast %select_n3A : vector<784x128xf32> to vector<1x784x128xf32>
    %reduce_sum3A_21 = arith.constant dense<0.000000e+00> : vector<1xf32>
    %reduce_sum3A_22 = vector.multi_reduction <add>, %reduce_sum3A, %reduce_sum3A_21 [1, 2] : vector<1x784x128xf32> to vector<1xf32>
    %reduce_sum3A_23 = vector.shape_cast %reduce_sum3A_22 : vector<1xf32> to vector<1x1x1xf32>
    %reduce_sum3A_24 = vector.extract %reduce_sum3A_23[0, 0, 0] : f32 from vector<1x1x1xf32>
    %convert_element_type3A = arith.sitofp %shift_right_logical3A_10 : vector<784x128xi32> to vector<784x128xf32>
    %get3A_25 = arith.constant 0 : index
    %get3A_26 = arith.constant 0 : index
    %get3A_27 = vector.load %arg2[%get3A_25, %get3A_26] : memref<784x128xf32, #tpu.memory_space<vmem>>, vector<784x128xf32>
    %mul3A = arith.mulf %convert_element_type3A, %get3A_27 : vector<784x128xf32>
    %reduce_sum3A_28 = vector.shape_cast %mul3A : vector<784x128xf32> to vector<1x784x128xf32>
    %reduce_sum3A_29 = arith.constant dense<0.000000e+00> : vector<1xf32>
    %reduce_sum3A_30 = vector.multi_reduction <add>, %reduce_sum3A_28, %reduce_sum3A_29 [1, 2] : vector<1x784x128xf32> to vector<1xf32>
    %reduce_sum3A_31 = vector.shape_cast %reduce_sum3A_30 : vector<1xf32> to vector<1x1x1xf32>
    %reduce_sum3A_32 = vector.extract %reduce_sum3A_31[0, 0, 0] : f32 from vector<1x1x1xf32>
    %add3A_33 = arith.addf %reduce_sum3A_24, %reduce_sum3A_32 : f32
    %convert_element_type3A_34 = arith.extui %and3A_17 : vector<784x128xi1> to vector<784x128xi32>
    %convert_element_type3A_35 = arith.sitofp %convert_element_type3A_34 : vector<784x128xi32> to vector<784x128xf32>
    %reduce_sum3A_36 = vector.shape_cast %convert_element_type3A_35 : vector<784x128xf32> to vector<1x784x128xf32>
    %reduce_sum3A_37 = arith.constant dense<0.000000e+00> : vector<1xf32>
    %reduce_sum3A_38 = vector.multi_reduction <add>, %reduce_sum3A_36, %reduce_sum3A_37 [1, 2] : vector<1x784x128xf32> to vector<1xf32>
    %reduce_sum3A_39 = vector.shape_cast %reduce_sum3A_38 : vector<1xf32> to vector<1x1x1xf32>
    %reduce_sum3A_40 = vector.extract %reduce_sum3A_39[0, 0, 0] : f32 from vector<1x1x1xf32>
    %add3A_41 = arith.constant 6.400000e+01 : f32
    %add3A_42 = arith.addf %reduce_sum3A_40, %add3A_41 : f32
    %div3A = arith.divf %add3A_33, %add3A_42 : f32
    %swap3A = arith.constant 0 : index
    %swap3A_43 = arith.constant 0 : index
    %swap3A_44 = memref.load %arg3[%swap3A, %swap3A_43] : memref<1x1xf32, #tpu.memory_space<smem>>
    memref.store %div3A, %arg3[%swap3A, %swap3A_43] : memref<1x1xf32, #tpu.memory_space<smem>>
    return
  }
}

</mosaic_0001>

<sc_bundles>
// kernel: kernel.5.cloned.1.call-start
scs
__scs_entry_jumppad:
0x0: {  	(pc) =	sbr.rel $0x88, $3  }
0x1: {  	(tag) =	ssettag $0x0;
	lr =	simm.s32 $0x1  }
0x2: {  	[smem:$0x3F9E] =	sst lr;
	_ =	strace $0xD0000000  }
0x3: {  	_ = 	snop  }
0x4: {  	_ = 	snop  }
0x5: {  	_ = 	snop  }
0x6: {  	_ = 	snop  }
0x7: {  	_ = 	snop  }
__scs_overlays_trampoline_lowered:
0x8: {  	[smem:$0x3FAD] =	sst s0  }
0x9: {  	[smem:$0x3FAE] =	sst s1  }
0xa: {  	[smem:$0x3FAF] =	sst s2  }
0xb: {  	[smem:$0x3FB0] =	sst s3  }
0xc: {  	[smem:$0x3FB1] =	sst s4  }
0xd: {  	[smem:$0x3FB2] =	sst s5  }
0xe: {  	[smem:$0x3FB3] =	sst s6  }
0xf: {  	[smem:$0x3FB4] =	sst s7  }
0x10: {  	[smem:$0x3FB5] =	sst s8  }
0x11: {  	[smem:$0x3FB6] =	sst s9;
	s0 =	simm.s32 @!p0 $0x0  }
0x12: {  	s1 =	sld [smem:$0x3F9C];
	s0 =	simm.s32 @p0 $0x1  }
0x13: {  	[smem:$0x3FB7] =	sst s0;
	s0 =	simm.s32 @!p1 $0x0  }
0x14: {  	s2 =	sld [smem:$0x3F9B];
	s0 =	simm.s32 @p1 $0x1  }
0x15: {  	[smem:$0x3FB8] =	sst s0;
	s0 =	simm.s32 @!p2 $0x0  }
0x16: {  	s3 =	sld [smem:$0x3FDB];
	s0 =	simm.s32 @p2 $0x1  }
0x17: {  	s4 =	simm.s32 $0x1BF5;
	[smem:$0x3FBA] =	sst s0  }
0x18: {  	s0 =	sld [smem:$0x3F9D];
	_ =	swait.ge [sflag:s4], $0x0  }
0x19: {  	s7 =	sld [smem:$0x3F9E]  }
0x1a: {  	s8 =	sadd.s32 $0xFFFFE003, lr  }
0x1b: {  	s9 =	sadd.s32 $0xFFFFFEF7, lr;
	s5 =	simm.s32 $0xFFFFFFFF;
	p2 =	slt.u32 s8, $0xFFFFF086  }
0x1c: {  	p1 =	slt.u32 s9, $0xF7A;
	s5 =	simm.s32 @!p2 $0x0  }
0x1d: {  	s5 =	simm.s32 @p1 $0x1;
	p0 =	seq.s32 s7, s2  }
0x1e: {  	s7 =	smul.u32 @!p0 $0xF7A, s2;
	p2 =	seq.s32 @!p0 s5, $0x0  }
0x1f: {  	s9 =	smul.u32 $0xF7A, s1;
	s8 =	simm.s32 @!p0 $0x1BF5;
	p2 =	por !p2, p0  }
0x20: {  	[sflag:s8] =	ssyncset.s32 @!p0 $0xFFFFF086;
	s6 =	sadd.s32 @!p0 s3, s7;
	s7 =	simm.s32 @!p0 $0x108  }
0x21: {  	s3 =	sadd.s32 s3, s9;
	s6 =	sadd.s32 @!p0 $0x88, s6;
	s7 =	simm.s32 @p2 $0x1082  }
0x22: {  	[simem:s7], [sflag:s8] =	dma.local @!p0 [hbm:s6], $0xF7A  }
0x23: {  	s9 =	sor.u32 $0xD0000000, s2;
	s6 =	simm.s32 $0x108;
	_ =	swait.ge @!p0 [sflag:s8], $0x0  }
0x24: {  	s3 =	sadd.s32 $0x88, s3;
	s6 =	simm.s32 @!p1 $0x1082;
	[sflag:s4] =	ssyncset.s32 $0xFFFFF086  }
0x25: {  	[simem:s6], [sflag:s4] =	dma.local [hbm:s3], $0xF7A  }
0x26: {  	[smem:$0x3F9E] =	sst s1;
	(tag) =	ssettag s2;
	_ =	strace s9  }
0x27: {  	s1 =	sld [smem:$0x3FAE]  }
0x28: {  	s2 =	sld [smem:$0x3FAF]  }
0x29: {  	s4 =	sld [smem:$0x3FB1]  }
0x2a: {  	p0 =	seq.s32 s5, $0x0;
	s5 =	sld [smem:$0x3FB2]  }
0x2b: {  	s6 =	sld [smem:$0x3FB3]  }
0x2c: {  	s7 =	sld [smem:$0x3FB4]  }
0x2d: {  	s3 =	simm.s32 $0x108;
	s8 =	sld [smem:$0x3FB5]  }
0x2e: {  	s3 =	simm.s32 @!p0 $0x1082;
	s9 =	sld [smem:$0x3FB6]  }
0x2f: {  	lr =	sadd.s32 s0, s3;
	s0 =	sld [smem:$0x3FAD]  }
0x30: {  	s3 =	sld [smem:$0x3FB0]  }
0x31: {  	[smem:$0x3FB9] =	sst s10  }
0x32: {  	s10 =	sld [smem:$0x3FB7];
	_ =	sdelay $0x3  }
0x33: {  	p0 =	seq.s32 s10, $0x1;
	s10 =	sld [smem:$0x3FB9];
	_ =	sdelay $0x3  }
0x34: {  	[smem:$0x3FB9] =	sst s10  }
0x35: {  	s10 =	sld [smem:$0x3FB8];
	_ =	sdelay $0x3  }
0x36: {  	p1 =	seq.s32 s10, $0x1;
	s10 =	sld [smem:$0x3FB9];
	_ =	sdelay $0x3  }
0x37: {  	[smem:$0x3FB9] =	sst s10  }
0x38: {  	s10 =	sld [smem:$0x3FBA]  }
0x39: {  	_ = 	snop;
	(pc) =	sbr.ind lr, $3  }
0x3a: {  	_ = 	snop  }
0x3b: {  	_ = 	snop  }
0x3c: {  	p2 =	seq.s32 s10, $0x1;
	s10 =	sld [smem:$0x3FB9]  }
0x3d: {  	_ =	shalt  }
0x3e: {  	_ =	shalt  }
0x3f: {  	_ =	shalt  }
0x40: {  	_ =	shalt  }
0x41: {  	_ =	shalt  }
0x42: {  	_ =	shalt  }
0x43: {  	_ =	shalt  }
0x44: {  	_ =	shalt  }
0x45: {  	_ =	shalt  }
0x46: {  	_ =	shalt  }
0x47: {  	_ =	shalt  }
0x48: {  	_ =	shalt  }
0x49: {  	_ =	shalt  }
0x4a: {  	_ =	shalt  }
0x4b: {  	_ =	shalt  }
0x4c: {  	_ =	shalt  }
0x4d: {  	_ =	shalt  }
0x4e: {  	_ =	shalt  }
0x4f: {  	_ =	shalt  }
0x50: {  	_ =	shalt  }
0x51: {  	_ =	shalt  }
0x52: {  	_ =	shalt  }
0x53: {  	_ =	shalt  }
0x54: {  	_ =	shalt  }
0x55: {  	_ =	shalt  }
0x56: {  	_ =	shalt  }
0x57: {  	_ =	shalt  }
0x58: {  	_ =	shalt  }
0x59: {  	_ =	shalt  }
0x5a: {  	_ =	shalt  }
0x5b: {  	_ =	shalt  }
0x5c: {  	_ =	shalt  }
0x5d: {  	_ =	shalt  }
0x5e: {  	_ =	shalt  }
0x5f: {  	_ =	shalt  }
0x60: {  	_ =	shalt  }
0x61: {  	_ =	shalt  }
0x62: {  	_ =	shalt  }
0x63: {  	_ =	shalt  }
0x64: {  	_ =	shalt  }
0x65: {  	_ =	shalt  }
0x66: {  	_ =	shalt  }
0x67: {  	_ =	shalt  }
0x68: {  	_ =	shalt  }
0x69: {  	_ =	shalt  }
0x6a: {  	_ =	shalt  }
0x6b: {  	_ =	shalt  }
0x6c: {  	_ =	shalt  }
0x6d: {  	_ =	shalt  }
0x6e: {  	_ =	shalt  }
0x6f: {  	_ =	shalt  }
0x70: {  	_ =	shalt  }
0x71: {  	_ =	shalt  }
0x72: {  	_ =	shalt  }
0x73: {  	_ =	shalt  }
0x74: {  	_ =	shalt  }
0x75: {  	_ =	shalt  }
0x76: {  	_ =	shalt  }
0x77: {  	_ =	shalt  }
0x78: {  	_ =	shalt  }
0x79: {  	_ =	shalt  }
0x7a: {  	_ =	shalt  }
0x7b: {  	_ =	shalt  }
0x7c: {  	_ =	shalt  }
0x7d: {  	_ =	shalt  }
0x7e: {  	_ =	shalt  }
0x7f: {  	_ =	shalt  }
0x80: {  	_ =	shalt  }
0x81: {  	_ =	shalt  }
0x82: {  	_ =	shalt  }
0x83: {  	_ =	shalt  }
0x84: {  	_ =	shalt  }
0x85: {  	_ =	shalt  }
0x86: {  	_ =	shalt  }
0x87: {  	_ =	shalt  }
.Lfunc_end0:
.L_simem_size_0:
called_computation_lowered:
.L_overlay_start_0:
0x88: {  	s2 =	sld [smem:$0x3FD9]  }
0x89: {  	s3 =	sld [smem:$0x3FFE];
	_ =	sdelay $0x1  }
0x8a: {  	s1 =	srdreg.scid  }
0x8b: {  	s0 =	sand.u32 $0x1, s1  }
0x8c: {  	s17 =	sshll.u32 s0, $0xA;
	s2 =	sadd.s32 s3, s2  }
0x8d: {  	s2 =	sadd.s32 s2, s17  }
0x8e: {  	[smem:$0x3FC5] =	sst s2  }
0x8f: {  	_ = 	snop  }
0x90: {  	s2 =	sld [smem:$0x3FC8]  }
0x91: {  	s18 =	sld [smem:$0x3FC7];
	(tm) =	ssettm $0x1  }
0x92: {  	s4 =	sld [smem:$0x3FFB];
	_ =	sdelay $0x3  }
0x93: {  	_ =	strace s4  }
0x94: {  	s4 =	sld [smem:$0x3FFC];
	_ =	sdelay $0x3  }
0x95: {  	_ =	strace s4  }
0x96: {  	s4 =	sld [smem:$0x3FFD];
	_ =	sdelay $0x3  }
0x97: {  	_ =	strace s4  }
0x98: {  	_ =	strace $0x8FFFFFFF  }
0x99: {  	s19 =	sld [smem:$0x3FDB];
	_ =	sdelay $0x1  }
0x9a: {  	s5 =	simm.s32 $_scs_section_size  }
0x9b: {  	s6 =	simm.s32 $_size__tile_overlayer_lowered;
	s7 =	simm.s32 $_tile_overlayer_lowered  }
0x9c: {  	s22 =	simm.s32 $0x1BFF;
	s21 =	sshll.u32 s7, $0x1;
	s4 =	sadd.s32 s5, s19  }
0x9d: {  	s8 =	simm.s32 $0x0;
	s20 =	sshll.u32 s6, $0x1;
	s6 =	sadd.s32 s21, s4  }
0x9e: {  	[timem:s8], [sflag:s22] =	dma.local [hbm:s6], s20  }
0x9f: {  	_ =	swait.ge [sflag:s22], s20  }
0xa0: {  	s5 =	ssub.s32 $0x0, s20;
	[sflag:s22] =	ssyncset.done $0x0  }
0xa1: {  	[sflag:s22] =	ssyncadd.s32 s5;
	_ =	sdelay $0x1  }
0xa2: {  	s23 =	simm.s32 $0x1B8B  }
0xa3: {  	_ =	swait.ge [sflag:s23], $0x1  }
0xa4: {  	[sflag:s23] =	ssyncset.done $0x0  }
0xa5: {  	s25 =	simm.s32 $0x1B8E;
	s24 =	sld [smem:$0x3FFE];
	[sflag:s23] =	ssyncadd.s32 $0xFFFFFFFF  }
0xa6: {  	s26 =	simm.s32 $execute0_lowered;
	[smem:$0x3FD2] =	sst s25  }
0xa7: {  	s6 =	sshll.u32 s26, $0x1;
	_ =	strace $0x80000046;
	[dreg:$0x1] =	wrdreg $0xFFFFFFFF  }
0xa8: {  	s28 =	simm.s32 $_size_execute0_lowered;
	s4 =	sadd.s32 s4, s6;
	[dreg:$0x0] =	wrdreg $0x0  }
0xa9: {  	s6 =	sshll.u32 s28, $0x1;
	[dreg:$0x2] =	wrdreg s4  }
0xaa: {  	[dreg:$0x3] =	wrdreg s6  }
0xab: {  	[dreg:$0x4] =	wrdreg $0xC0  }
0xac: {  	_ =	task [dreg:s8], $0x5FFFF  }
0xad: {  	[dreg:$0x1] =	wrdreg $0xFFFFFFFF  }
0xae: {  	[dreg:$0x0] =	wrdreg $0x60  }
0xaf: {  	[dreg:$0x2] =	wrdreg s2  }
0xb0: {  	[dreg:$0x3] =	wrdreg s18  }
0xb1: {  	[dreg:$0x4] =	wrdreg s24  }
0xb2: {  	[dreg:$0x5] =	wrdreg $0x1DB800  }
0xb3: {  	[dreg:$0x6] =	wrdreg $0x9  }
0xb4: {  	_ =	task.clear_ibuf [dreg:s8], $0x7FFFF;
	_ =	strace $0x90000046  }
0xb5: {  	s29 =	simm.s32 $0x9;
	_ =	strace $0x80000048  }
0xb6: {  	_ =	swait.ge [sflag:s29], $0x1  }
0xb7: {  	[sflag:s29] =	ssyncadd.s32 $0xFFFFFFFF  }
0xb8: {  	_ =	strace $0x90000048  }
0xb9: {  	_ =	sfence  }
0xba: {  	s30 =	sld [smem:$0x0];
	_ =	sdelay $0x2  }
0xbb: {  	s31 =	sshll.u32 s1, $0xD;
	s1 =	sshrl.u32 s1, $0x2  }
0xbc: {  	s3 =	sand.u32 $0x4000, s31;
	s1 =	sadd.s32 s1, s30  }
0xbd: {  	s0 =	sor.u32 s3, s0;
	s1 =	sshll.u32 s1, $0x11  }
0xbe: {  	s0 =	sor.u32 s1, s0  }
0xbf: {  	s0 =	sadd.s32 $0x8F2B, s0  }
0xc0: {  	[sflag:s0] =	ssyncadd.remote.s32 $0x1  }
0xc1: {  	_ =	sfence.sel $0xFFFF  }
0xc2: {  	[dreg:$0x0] =	wrdreg $0xFFFFFFFF;
	(pc) =	sbr.abs _section_cstart, $3  }
0xc3: {  	[dreg:$0x1] =	wrdreg $0xFFFFFFFF  }
0xc4: {  	_ =	task.clear_ibuf [dreg:s8], $0x2FFFF;
	_ =	strace $0x9FFFFFFF  }
0xc5: {  	(tm) =	ssettm $0x7FFFFFFF  }
tec
execute0_lowered:
.L_overlay_start_1:
0x0: {  	(tag) =	ssettag $0x1  }
0x1: {  	v0 =	vlaneseq.u32  }
0x2: {  	v1 =	vimm.s32 $0x0;
	v51 =	vimm.s32 $0x1000000;
	vm0 =	vcmask $0x704  }
0x3: {  	vm1 =	vcmask $0xB08;
	vm2 =	vcmask $0xF0C;
	vm3 =	vcmask $0x1310  }
0x4: {  	vm4 =	vcmask $0x1714;
	vm5 =	vcmask $0x1B18;
	vm6 =	vcmask $0x1F1C  }
0x5: {  	vm7 =	vcmask $0x2320;
	vm8 =	vcmask $0x2724;
	vm9 =	vcmask $0x2B28  }
0x6: {  	s0 =	rddreg [dreg:$0x0];
	vm10 =	vcmask $0x2F2C;
	vm11 =	vcmask $0x3330;
	vm12 =	vcmask $0x3734  }
0x7: {  	s1 =	srdreg.scid;
	s2 =	rddreg [dreg:$0x2];
	vm13 =	vcmask $0x3B38;
	vm14 =	vcmask $0x3F3C;
	v2 =	vor.u32 $0x10, v0  }
0x8: {  	s14 =	stileid.u32;
	s3 =	rddreg [dreg:$0x3];
	v3 =	vor.u32 $0x20, v0;
	v4 =	vor.u32 $0x30, v0;
	v5 =	vor.u32 $0x40, v0  }
0x9: {  	s13 =	simm.s32 $0x2700;
	s15 =	simm.s32 $0x5380;
	s16 =	simm.s32 $0x2;
	v6 =	vor.u32 $0x50, v0;
	v7 =	vor.u32 $0x60, v0;
	v8 =	vor.u32 $0x70, v0  }
0xa: {  	s18 =	simm.s32 $0x3;
	s20 =	simm.s32 $0x70;
	s24 =	simm.s32 $0x5080;
	v9 =	vor.u32 $0x80, v0;
	v10 =	vor.u32 $0x90, v0;
	v11 =	vor.u32 $0xA0, v0  }
0xb: {  	s25 =	simm.s32 $0xC380;
	s28 =	simm.s32 $0xFB80;
	s29 =	simm.s32 $0x5180;
	v12 =	vor.u32 $0xB0, v0;
	v13 =	vor.u32 $0xC0, v0;
	v14 =	vor.u32 $0xD0, v0  }
0xc: {  	s30 =	simm.s32 $0x13380;
	s31 =	simm.s32 $0x5200;
	s1 =	sand.u32 $0x1, s1;
	v15 =	vor.u32 $0xE0, v0;
	v16 =	vor.u32 $0xF0, v0;
	v17 =	vor.u32 $0x100, v0  }
0xd: {  	s19 =	simm.s32 $0x1A380;
	v18 =	vor.u32 $0x110, v0;
	v19 =	vor.u32 $0x120, v0;
	v20 =	vor.u32 $0x130, v0;
	p0 =	sne.s32 s14, $0x0;
	s4 =	sshll.u32 s1, $0x4  }
0xe: {  	v21 =	vor.u32 $0x140, v0;
	v22 =	vor.u32 $0x150, v0;
	v23 =	vor.u32 $0x160, v0;
	s7 =	smul.u32 $0x3100, s1;
	s1 =	ssub.s32 $0x2, s1;
	s17 =	sor.u32 s14, s4  }
0xf: {  	v24 =	vor.u32 $0x170, v0;
	v25 =	vor.u32 $0x180, v0;
	v26 =	vor.u32 $0x190, v0;
	s4 =	simm.s32 $0x0;
	s26 =	sshrl.u32 s1, $0x1;
	s14 =	simm.s32 $0x1  }
0x10: {  	v27 =	vor.u32 $0x1A0, v0;
	v28 =	vor.u32 $0x1B0, v0;
	v29 =	vor.u32 $0x1C0, v0;
	s5 =	smul.u32 $0x30D, s17;
	[smem:$0x7FF] =	sst s4;
	s6 =	smin.u32 s17, $0x8  }
0x11: {  	v30 =	vor.u32 $0x1D0, v0;
	v31 =	vor.u32 $0x1E0, v0;
	v32 =	vor.u32 $0x1F0, v0;
	s2 =	sadd.s32 s7, s2;
	s1 =	ssub.s32 s1, s26;
	p1 =	sgt.u32 s17, $0x7  }
0x12: {  	v50 =	vimm.s32 $0x1;
	v33 =	vor.u32 $0x200, v0;
	v34 =	vor.u32 $0x210, v0;
	s26 =	simm.s32 $0x5100;
	_ =	strace $0x80000047;
	s11 =	sadd.s32 $0xA00, s2  }
.Ltmp0:
0x13: {  	v35 =	vor.u32 $0x220, v0;
	v36 =	vor.u32 $0x230, v0;
	v37 =	vor.u32 $0x240, v0;
	s12 =	smax.u32 s1, $0x1;
	p2 =	sne.s32 @!p1 s17, $0x0;
	(pc) =	sbr.rel .LBB2_1-.Ltmp0, $4  }
0x14: {  	v38 =	vor.u32 $0x250, v0;
	v39 =	vor.u32 $0x260, v0;
	v40 =	vor.u32 $0x270, v0;
	s2 =	simm.s32 $0x16B80;
	s1 =	simm.s32 $0x5280;
	s8 =	sadd.s32 s6, s5  }
0x15: {  	v41 =	vor.u32 $0x280, v0;
	v42 =	vor.u32 $0x290, v0;
	v43 =	vor.u32 $0x2A0, v0;
	s17 =	simm.s32 $0x0;
	p2 =	por p1, p2;
	s6 =	sshll.u32 s8, $0x5  }
0x16: {  	v44 =	vor.u32 $0x2B0, v0;
	v45 =	vor.u32 $0x2C0, v0;
	v46 =	vor.u32 $0x2D0, v0;
	s7 =	sadd.s32 $0x4E, s8;
	s8 =	sadd.s32 $0x75, s8;
	s5 =	sadd.s32 s0, s6  }
0x17: {  	v47 =	vor.u32 $0x2E0, v0;
	v48 =	vor.u32 $0x2F0, v0;
	v49 =	vor.u32 $0x300, v0;
	s6 =	sadd.s32 $0x4E0, s5;
	s9 =	sadd.s32 $0x6180, s5;
	s10 =	sadd.s32 $0x61A0, s5  }
.LBB2_10:
0x18: {  	s21 =	simm.s32 $0x4E00  }
0x19: {  	[tilespmem:s21], [sflag:$0x3] =	stream.linear.gather [hbm4b:s9+s4], $0x100, $0x38;
	[tilespmem:$0x1F400] =	vst v63  }
0x1a: {  	_ =	swait.ge [sflag:s18], $0x100  }
0x1b: {  	[sflag:s18] =	ssyncset.done $0x0  }
0x1c: {  	[sflag:s18] =	ssyncadd.s32 $0xFFFFFF00  }
0x1d: {  	v52 =	vld [tilespmem:$0x4E00];
	_ =	sdelay $0x7  }
0x1e: {  	[tilespmem:v52+s15+$0x0] =	vst.idx.msk $0xffff, v50  }
0x1f: {  	v52 =	vld [tilespmem:$0x4E10];
	_ =	sdelay $0x7  }
0x20: {  	[tilespmem:v52+s15+$0x0] =	vst.idx.msk $0xffff, v50  }
0x21: {  	v52 =	vld [tilespmem:$0x4E20];
	_ =	sdelay $0x7  }
0x22: {  	[tilespmem:v52+s15+$0x0] =	vst.idx.msk $0xffff, v50  }
0x23: {  	v52 =	vld [tilespmem:$0x4E30];
	_ =	sdelay $0x7  }
0x24: {  	[tilespmem:v52+s15+$0x0] =	vst.idx.msk $0xffff, v50  }
0x25: {  	v52 =	vld [tilespmem:$0x4E40];
	_ =	sdelay $0x7  }
0x26: {  	[tilespmem:v52+s15+$0x0] =	vst.idx.msk $0xffff, v50  }
0x27: {  	v52 =	vld [tilespmem:$0x4E50];
	_ =	sdelay $0x7  }
0x28: {  	[tilespmem:v52+s15+$0x0] =	vst.idx.msk $0xffff, v50  }
0x29: {  	v52 =	vld [tilespmem:$0x4E60];
	_ =	sdelay $0x7  }
0x2a: {  	[tilespmem:v52+s15+$0x0] =	vst.idx.msk $0xffff, v50  }
0x2b: {  	v52 =	vld [tilespmem:$0x4E70];
	_ =	sdelay $0x7  }
0x2c: {  	s22 =	simm.s32 @!p1 $0x4E00;
	s21 =	simm.s32 @!p1 $0x0;
	[tilespmem:v52+s15+$0x0] =	vst.idx.msk $0xffff, v50  }
0x2d: {  	[tilespmem:s22], [sflag:$0x3] =	stream.linear.gather @!p1 [hbm4b:s10+s21], $0x100, $0x38;
	[tilespmem:$0x1F400] =	vst v63  }
0x2e: {  	s21 =	simm.s32 @!p1 $0x3  }
0x2f: {  	_ =	swait.ge @!p1 [sflag:s21], $0x100  }
0x30: {  	[sflag:s21] =	ssyncset.done @!p1 $0x0  }
0x31: {  	[sflag:s21] =	ssyncadd.s32 @!p1 $0xFFFFFF00  }
0x32: {  	v52 =	vld @!p1 [tilespmem:$0x4E00];
	_ =	sdelay $0x6  }
0x33: {  	v53 =	vimm.s32 @!p1 $0x1;
	s21 =	simm.s32 @!p1 $0x5380  }
0x34: {  	[tilespmem:v52+s21+$0x0] =	vst.idx.msk @!p1 $0xffff, v53  }
0x35: {  	v52 =	vld @!p1 [tilespmem:$0x4E10];
	_ =	sdelay $0x7  }
0x36: {  	[tilespmem:v52+s21+$0x0] =	vst.idx.msk @!p1 $0xffff, v53  }
0x37: {  	v52 =	vld @!p1 [tilespmem:$0x4E20];
	_ =	sdelay $0x7  }
0x38: {  	[tilespmem:v52+s21+$0x0] =	vst.idx.msk @!p1 $0xffff, v53  }
0x39: {  	v52 =	vld @!p1 [tilespmem:$0x4E30];
	_ =	sdelay $0x7  }
0x3a: {  	[tilespmem:v52+s21+$0x0] =	vst.idx.msk @!p1 $0xffff, v53  }
0x3b: {  	v52 =	vld @!p1 [tilespmem:$0x4E40];
	_ =	sdelay $0x7  }
0x3c: {  	[tilespmem:v52+s21+$0x0] =	vst.idx.msk @!p1 $0xffff, v53  }
0x3d: {  	v52 =	vld @!p1 [tilespmem:$0x4E50];
	_ =	sdelay $0x7  }
0x3e: {  	[tilespmem:v52+s21+$0x0] =	vst.idx.msk @!p1 $0xffff, v53  }
0x3f: {  	v52 =	vld @!p1 [tilespmem:$0x4E60];
	_ =	sdelay $0x7  }
0x40: {  	[tilespmem:v52+s21+$0x0] =	vst.idx.msk @!p1 $0xffff, v53  }
0x41: {  	v52 =	vld @!p1 [tilespmem:$0x4E70];
	_ =	sdelay $0x3  }
.Ltmp1:
0x42: {  	_ = 	snop;
	(pc) =	sbr.rel @!p2 .LBB2_11-.Ltmp1, $2  }
0x43: {  	_ =	sdelay $0x2  }
0x44: {  	[tilespmem:v52+s21+$0x0] =	vst.idx.msk @!p1 $0xffff, v53  }
.LBB2_12:
0x45: {  	s21 =	simm.s32 $0x4F80  }
0x46: {  	[spmem:s3] =	stream.indirect.scatter.add.s32 [tilespmem:s15], [sflag:$0x3], $0x80, s21, s20, $0xb8;
	[tilespmem:$0x1F400] =	vst v63  }
0x47: {  	_ =	swait.ge [sflag:s18], $0x3800  }
0x48: {  	[sflag:s18] =	ssyncset.done $0x0  }
0x49: {  	s23 =	simm.s32 $0x5000;
	s22 =	simm.s32 $0x8B80;
	[sflag:s18] =	ssyncadd.s32 $0xFFFFC800  }
0x4a: {  	[spmem:s3] =	stream.indirect.scatter.add.s32 [tilespmem:s22], [sflag:$0x3], $0x80, s23, s20, $0xb8;
	[tilespmem:$0x1F400] =	vst v63  }
0x4b: {  	_ =	swait.ge [sflag:s18], $0x3800  }
0x4c: {  	[sflag:s18] =	ssyncset.done $0x0  }
0x4d: {  	[sflag:s18] =	ssyncadd.s32 $0xFFFFC800  }
0x4e: {  	[spmem:s3] =	stream.indirect.scatter.add.s32 [tilespmem:s25], [sflag:$0x3], $0x80, s24, s20, $0xb8;
	[tilespmem:$0x1F400] =	vst v63  }
0x4f: {  	_ =	swait.ge [sflag:s18], $0x3800  }
0x50: {  	[sflag:s18] =	ssyncset.done $0x0  }
0x51: {  	[sflag:s18] =	ssyncadd.s32 $0xFFFFC800  }
0x52: {  	[spmem:s3] =	stream.indirect.scatter.add.s32 [tilespmem:s28], [sflag:$0x3], $0x80, s26, s20, $0xb8;
	[tilespmem:$0x1F400] =	vst v63  }
0x53: {  	_ =	swait.ge [sflag:s18], $0x3800  }
0x54: {  	[sflag:s18] =	ssyncset.done $0x0  }
0x55: {  	[sflag:s18] =	ssyncadd.s32 $0xFFFFC800  }
0x56: {  	[spmem:s3] =	stream.indirect.scatter.add.s32 [tilespmem:s30], [sflag:$0x3], $0x80, s29, s20, $0xb8;
	[tilespmem:$0x1F400] =	vst v63  }
0x57: {  	_ =	swait.ge [sflag:s18], $0x3800  }
0x58: {  	[sflag:s18] =	ssyncset.done $0x0  }
0x59: {  	[sflag:s18] =	ssyncadd.s32 $0xFFFFC800  }
0x5a: {  	[spmem:s3] =	stream.indirect.scatter.add.s32 [tilespmem:s2], [sflag:$0x3], $0x80, s31, s20, $0xb8;
	[tilespmem:$0x1F400] =	vst v63  }
0x5b: {  	_ =	swait.ge [sflag:s18], $0x3800  }
0x5c: {  	[sflag:s18] =	ssyncset.done $0x0  }
0x5d: {  	[sflag:s18] =	ssyncadd.s32 $0xFFFFC800  }
0x5e: {  	[spmem:s3] =	stream.indirect.scatter.add.s32 [tilespmem:s19], [sflag:$0x3], $0x80, s1, s20, $0xb8;
	[tilespmem:$0x1F400] =	vst v63  }
0x5f: {  	_ =	swait.ge [sflag:s18], $0x3800  }
0x60: {  	[sflag:s18] =	ssyncset.done $0x0  }
0x61: {  	s17 =	sadd.s32 $0x1, s17;
	s21 =	sshrl.u32 @!p0 s3, $0x3;
	[sflag:s18] =	ssyncadd.s32 $0xFFFFC800  }
0x62: {  	p3 =	sne.s32 s17, s12;
	s22 =	simm.s32 @!p0 $0x1C03;
	[bflag:$0x0] =	sbarrier.arrive $0xFFFF  }
0x63: {  	[hbm:s11], [sflag:s22] =	dma.local @!p0 [spmem:s21], $0x3100  }
.Ltmp2:
0x64: {  	_ = 	snop;
	(pc) =	sbr.rel @!p3 .LBB2_13-.Ltmp2, $4  }
0x65: {  	s21 =	simm.s32 @!p0 $0x3  }
0x66: {  	_ =	swait.ge @!p0 [sflag:s21], $0x3100  }
0x67: {  	[sflag:s21] =	ssyncset.done @!p0 $0x0  }
0x68: {  	[sflag:s21] =	ssyncadd.s32 @!p0 $0xFFFFCF00  }
.LBB2_1:
0x69: {  	[tilespmem:s4], [sflag:$0x1] =	stream.linear.gather [hbm4b:s5+s4], $0x2700, $0x38;
	[tilespmem:$0x1F400] =	vst v63  }
0x6a: {  	s21 =	simm.s32 $0x5580  }
0x6b: {  	[tilespmem:s13], [sflag:$0x2] =	stream.linear.gather [hbm4b:s6+s4], $0x2700, $0x38;
	[tilespmem:$0x1F400] =	vst v63  }
0x6c: {  	[tilespmem:s21+$0xFFFFFE00] =	vst v1  }
0x6d: {  	[tilespmem:s21+$0x1F0] =	vst v1  }
0x6e: {  	[tilespmem:s21+$0x1E0] =	vst v1  }
0x6f: {  	[tilespmem:s21+$0x1D0] =	vst v1  }
0x70: {  	[tilespmem:s21+$0x1C0] =	vst v1  }
0x71: {  	[tilespmem:s21+$0x1B0] =	vst v1  }
0x72: {  	[tilespmem:s21+$0x1A0] =	vst v1  }
0x73: {  	[tilespmem:s21+$0x190] =	vst v1  }
0x74: {  	[tilespmem:s21+$0x180] =	vst v1  }
0x75: {  	[tilespmem:s21+$0x170] =	vst v1  }
0x76: {  	[tilespmem:s21+$0x160] =	vst v1  }
0x77: {  	[tilespmem:s21+$0x150] =	vst v1  }
0x78: {  	[tilespmem:s21+$0x140] =	vst v1  }
0x79: {  	[tilespmem:s21+$0x130] =	vst v1  }
0x7a: {  	[tilespmem:s21+$0x120] =	vst v1  }
0x7b: {  	[tilespmem:s21+$0x110] =	vst v1  }
0x7c: {  	[tilespmem:s21+$0x100] =	vst v1  }
0x7d: {  	[tilespmem:s21+$0xF0] =	vst v1  }
0x7e: {  	[tilespmem:s21+$0xE0] =	vst v1  }
0x7f: {  	[tilespmem:s21+$0xD0] =	vst v1  }
0x80: {  	[tilespmem:s21+$0xC0] =	vst v1  }
0x81: {  	[tilespmem:s21+$0xB0] =	vst v1  }
0x82: {  	[tilespmem:s21+$0xA0] =	vst v1  }
0x83: {  	[tilespmem:s21+$0x90] =	vst v1  }
0x84: {  	[tilespmem:s21+$0x80] =	vst v1  }
0x85: {  	[tilespmem:s21+$0x70] =	vst v1  }
0x86: {  	[tilespmem:s21+$0x60] =	vst v1  }
0x87: {  	[tilespmem:s21+$0x50] =	vst v1  }
0x88: {  	[tilespmem:s21+$0x40] =	vst v1  }
0x89: {  	[tilespmem:s21+$0x30] =	vst v1  }
0x8a: {  	[tilespmem:s21+$0x20] =	vst v1  }
0x8b: {  	[tilespmem:s21+$0x10] =	vst v1  }
0x8c: {  	[tilespmem:s21+$0x0] =	vst v1  }
0x8d: {  	[tilespmem:s21+$0xFFFFFFF0] =	vst v1  }
0x8e: {  	[tilespmem:s21+$0xFFFFFFE0] =	vst v1  }
0x8f: {  	[tilespmem:s21+$0xFFFFFFD0] =	vst v1  }
0x90: {  	[tilespmem:s21+$0xFFFFFFC0] =	vst v1  }
0x91: {  	[tilespmem:s21+$0xFFFFFFB0] =	vst v1  }
0x92: {  	[tilespmem:s21+$0xFFFFFFA0] =	vst v1  }
0x93: {  	[tilespmem:s21+$0xFFFFFF90] =	vst v1  }
0x94: {  	[tilespmem:s21+$0xFFFFFF80] =	vst v1  }
0x95: {  	[tilespmem:s21+$0xFFFFFF70] =	vst v1  }
0x96: {  	[tilespmem:s21+$0xFFFFFF60] =	vst v1  }
0x97: {  	[tilespmem:s21+$0xFFFFFF50] =	vst v1  }
0x98: {  	[tilespmem:s21+$0xFFFFFF40] =	vst v1  }
0x99: {  	[tilespmem:s21+$0xFFFFFF30] =	vst v1  }
0x9a: {  	[tilespmem:s21+$0xFFFFFF20] =	vst v1  }
0x9b: {  	[tilespmem:s21+$0xFFFFFF10] =	vst v1  }
0x9c: {  	[tilespmem:s21+$0xFFFFFF00] =	vst v1  }
0x9d: {  	[tilespmem:s21+$0xFFFFFEF0] =	vst v1  }
0x9e: {  	[tilespmem:s21+$0xFFFFFEE0] =	vst v1  }
0x9f: {  	[tilespmem:s21+$0xFFFFFED0] =	vst v1  }
0xa0: {  	[tilespmem:s21+$0xFFFFFEC0] =	vst v1  }
0xa1: {  	[tilespmem:s21+$0xFFFFFEB0] =	vst v1  }
0xa2: {  	[tilespmem:s21+$0xFFFFFEA0] =	vst v1  }
0xa3: {  	[tilespmem:s21+$0xFFFFFE90] =	vst v1  }
0xa4: {  	[tilespmem:s21+$0xFFFFFE80] =	vst v1  }
0xa5: {  	[tilespmem:s21+$0xFFFFFE70] =	vst v1  }
0xa6: {  	[tilespmem:s21+$0xFFFFFE60] =	vst v1  }
0xa7: {  	[tilespmem:s21+$0xFFFFFE50] =	vst v1  }
0xa8: {  	[tilespmem:s21+$0xFFFFFE40] =	vst v1  }
0xa9: {  	[tilespmem:s21+$0xFFFFFE30] =	vst v1  }
0xaa: {  	s22 =	simm.s32 $0x0;
	[tilespmem:s21+$0xFFFFFE20] =	vst v1  }
.LBB2_2:
0xab: {  	s22 =	sadd.s32 $0x8, s22;
	[tilespmem:s21+$0xFFFFFE10] =	vst v1;
	s21 =	sadd.s32 $0x400, s21  }
0xac: {  	[tilespmem:s21+$0xFFFFFE00] =	vst v1;
	p3 =	slt.u32 s22, $0x308  }
0xad: {  	[tilespmem:s21+$0x1F0] =	vst v1  }
0xae: {  	[tilespmem:s21+$0x1E0] =	vst v1  }
0xaf: {  	[tilespmem:s21+$0x1D0] =	vst v1  }
0xb0: {  	[tilespmem:s21+$0x1C0] =	vst v1  }
0xb1: {  	[tilespmem:s21+$0x1B0] =	vst v1  }
0xb2: {  	[tilespmem:s21+$0x1A0] =	vst v1  }
0xb3: {  	[tilespmem:s21+$0x190] =	vst v1  }
0xb4: {  	[tilespmem:s21+$0x180] =	vst v1  }
0xb5: {  	[tilespmem:s21+$0x170] =	vst v1  }
0xb6: {  	[tilespmem:s21+$0x160] =	vst v1  }
0xb7: {  	[tilespmem:s21+$0x150] =	vst v1  }
0xb8: {  	[tilespmem:s21+$0x140] =	vst v1  }
0xb9: {  	[tilespmem:s21+$0x130] =	vst v1  }
0xba: {  	[tilespmem:s21+$0x120] =	vst v1  }
0xbb: {  	[tilespmem:s21+$0x110] =	vst v1  }
0xbc: {  	[tilespmem:s21+$0x100] =	vst v1  }
0xbd: {  	[tilespmem:s21+$0xF0] =	vst v1  }
0xbe: {  	[tilespmem:s21+$0xE0] =	vst v1  }
0xbf: {  	[tilespmem:s21+$0xD0] =	vst v1  }
0xc0: {  	[tilespmem:s21+$0xC0] =	vst v1  }
0xc1: {  	[tilespmem:s21+$0xB0] =	vst v1  }
0xc2: {  	[tilespmem:s21+$0xA0] =	vst v1  }
0xc3: {  	[tilespmem:s21+$0x90] =	vst v1  }
0xc4: {  	[tilespmem:s21+$0x80] =	vst v1  }
0xc5: {  	[tilespmem:s21+$0x70] =	vst v1  }
0xc6: {  	[tilespmem:s21+$0x60] =	vst v1  }
0xc7: {  	[tilespmem:s21+$0x50] =	vst v1  }
0xc8: {  	[tilespmem:s21+$0x40] =	vst v1  }
0xc9: {  	[tilespmem:s21+$0x30] =	vst v1  }
0xca: {  	[tilespmem:s21+$0x20] =	vst v1  }
0xcb: {  	[tilespmem:s21+$0x10] =	vst v1  }
0xcc: {  	[tilespmem:s21+$0x0] =	vst v1  }
0xcd: {  	[tilespmem:s21+$0xFFFFFFF0] =	vst v1  }
0xce: {  	[tilespmem:s21+$0xFFFFFFE0] =	vst v1  }
0xcf: {  	[tilespmem:s21+$0xFFFFFFD0] =	vst v1  }
0xd0: {  	[tilespmem:s21+$0xFFFFFFC0] =	vst v1  }
0xd1: {  	[tilespmem:s21+$0xFFFFFFB0] =	vst v1  }
0xd2: {  	[tilespmem:s21+$0xFFFFFFA0] =	vst v1  }
0xd3: {  	[tilespmem:s21+$0xFFFFFF90] =	vst v1  }
0xd4: {  	[tilespmem:s21+$0xFFFFFF80] =	vst v1  }
0xd5: {  	[tilespmem:s21+$0xFFFFFF70] =	vst v1  }
0xd6: {  	[tilespmem:s21+$0xFFFFFF60] =	vst v1  }
0xd7: {  	[tilespmem:s21+$0xFFFFFF50] =	vst v1  }
0xd8: {  	[tilespmem:s21+$0xFFFFFF40] =	vst v1  }
0xd9: {  	[tilespmem:s21+$0xFFFFFF30] =	vst v1  }
0xda: {  	[tilespmem:s21+$0xFFFFFF20] =	vst v1  }
0xdb: {  	[tilespmem:s21+$0xFFFFFF10] =	vst v1  }
0xdc: {  	[tilespmem:s21+$0xFFFFFF00] =	vst v1  }
0xdd: {  	[tilespmem:s21+$0xFFFFFEF0] =	vst v1  }
0xde: {  	[tilespmem:s21+$0xFFFFFEE0] =	vst v1  }
0xdf: {  	[tilespmem:s21+$0xFFFFFED0] =	vst v1  }
0xe0: {  	[tilespmem:s21+$0xFFFFFEC0] =	vst v1  }
0xe1: {  	[tilespmem:s21+$0xFFFFFEB0] =	vst v1  }
0xe2: {  	[tilespmem:s21+$0xFFFFFEA0] =	vst v1  }
0xe3: {  	[tilespmem:s21+$0xFFFFFE90] =	vst v1  }
0xe4: {  	[tilespmem:s21+$0xFFFFFE80] =	vst v1  }
0xe5: {  	[tilespmem:s21+$0xFFFFFE70] =	vst v1  }
.Ltmp3:
0xe6: {  	[tilespmem:s21+$0xFFFFFE60] =	vst v1;
	(pc) =	sbr.rel @p3 .LBB2_2-.Ltmp3, $4  }
0xe7: {  	[tilespmem:s21+$0xFFFFFE50] =	vst v1  }
0xe8: {  	[tilespmem:s21+$0xFFFFFE40] =	vst v1  }
0xe9: {  	[tilespmem:s21+$0xFFFFFE30] =	vst v1  }
0xea: {  	[tilespmem:s21+$0xFFFFFE20] =	vst v1  }
0xeb: {  	[tilespmem:s21+$0xFFFFFE10] =	vst v1  }
0xec: {  	[tilespmem:$0x4F80] =	vst v0  }
0xed: {  	[tilespmem:$0x4F90] =	vst v2  }
0xee: {  	[tilespmem:$0x4FA0] =	vst v3  }
0xef: {  	[tilespmem:$0x4FB0] =	vst v4  }
0xf0: {  	[tilespmem:$0x4FC0] =	vst v5  }
0xf1: {  	[tilespmem:$0x4FD0] =	vst v6  }
0xf2: {  	[tilespmem:$0x4FE0] =	vst v7  }
0xf3: {  	[tilespmem:$0x5000] =	vst v8  }
0xf4: {  	[tilespmem:$0x5010] =	vst v9  }
0xf5: {  	[tilespmem:$0x5020] =	vst v10  }
0xf6: {  	[tilespmem:$0x5030] =	vst v11  }
0xf7: {  	[tilespmem:$0x5040] =	vst v12  }
0xf8: {  	[tilespmem:$0x5050] =	vst v13  }
0xf9: {  	[tilespmem:$0x5060] =	vst v14  }
0xfa: {  	[tilespmem:$0x5080] =	vst v15  }
0xfb: {  	[tilespmem:$0x5090] =	vst v16  }
0xfc: {  	[tilespmem:$0x50A0] =	vst v17  }
0xfd: {  	[tilespmem:$0x50B0] =	vst v18  }
0xfe: {  	[tilespmem:$0x50C0] =	vst v19  }
0xff: {  	[tilespmem:$0x50D0] =	vst v20  }
0x100: {  	[tilespmem:$0x50E0] =	vst v21  }
0x101: {  	[tilespmem:$0x5100] =	vst v22  }
0x102: {  	[tilespmem:$0x5110] =	vst v23  }
0x103: {  	[tilespmem:$0x5120] =	vst v24  }
0x104: {  	[tilespmem:$0x5130] =	vst v25  }
0x105: {  	[tilespmem:$0x5140] =	vst v26  }
0x106: {  	[tilespmem:$0x5150] =	vst v27  }
0x107: {  	[tilespmem:$0x5160] =	vst v28  }
0x108: {  	[tilespmem:$0x5180] =	vst v29  }
0x109: {  	[tilespmem:$0x5190] =	vst v30  }
0x10a: {  	[tilespmem:$0x51A0] =	vst v31  }
0x10b: {  	[tilespmem:$0x51B0] =	vst v32  }
0x10c: {  	[tilespmem:$0x51C0] =	vst v33  }
0x10d: {  	[tilespmem:$0x51D0] =	vst v34  }
0x10e: {  	[tilespmem:$0x51E0] =	vst v35  }
0x10f: {  	[tilespmem:$0x5200] =	vst v36  }
0x110: {  	[tilespmem:$0x5210] =	vst v37  }
0x111: {  	[tilespmem:$0x5220] =	vst v38  }
0x112: {  	[tilespmem:$0x5230] =	vst v39  }
0x113: {  	[tilespmem:$0x5240] =	vst v40  }
0x114: {  	[tilespmem:$0x5250] =	vst v41  }
0x115: {  	[tilespmem:$0x5260] =	vst v42  }
0x116: {  	[tilespmem:$0x5280] =	vst v43  }
0x117: {  	[tilespmem:$0x5290] =	vst v44  }
0x118: {  	[tilespmem:$0x52A0] =	vst v45  }
0x119: {  	[tilespmem:$0x52B0] =	vst v46  }
0x11a: {  	[tilespmem:$0x52C0] =	vst v47  }
0x11b: {  	[tilespmem:$0x52D0] =	vst v48  }
0x11c: {  	s21 =	simm.s32 @!p0 $0x5380;
	[tilespmem:$0x52E0] =	vst v49  }
0x11d: {  	[spmem:s3] =	stream.linear.scatter @!p0 [tilespmem:s21], [sflag:$0x3], $0x18800, $0x38;
	[tilespmem:$0x1F400] =	vst v63  }
0x11e: {  	s21 =	simm.s32 @!p0 $0x3  }
0x11f: {  	_ =	swait.ge @!p0 [sflag:s21], $0x18800  }
0x120: {  	[sflag:s21] =	ssyncset.done @!p0 $0x0  }
0x121: {  	[sflag:s21] =	ssyncadd.s32 @!p0 $0xFFFE7800  }
0x122: {  	s21 =	simm.s32 $0x0;
	[bflag:$0x0] =	sbarrier.arrive $0xFFFF  }
.LBB2_4:
0x123: {  	_ =	swait.ge [sflag:s14], $0x2700  }
0x124: {  	[sflag:s14] =	ssyncset.done $0x0  }
0x125: {  	s23 =	simm.s32 $0x40;
	[sflag:s14] =	ssyncadd.s32 $0xFFFFD900  }
0x126: {  	v58 =	vld [tilespmem:s23+$0x30]  }
0x127: {  	v59 =	vld [tilespmem:s23+$0xFFFFFFD0]  }
0x128: {  	v57 =	vld [tilespmem:s23+$0xFFFFFFE0]  }
0x129: {  	v55 =	vld [tilespmem:s23+$0xFFFFFFF0]  }
0x12a: {  	v56 =	vld [tilespmem:s23+$0x0]  }
0x12b: {  	v54 =	vld [tilespmem:s23+$0x10]  }
0x12c: {  	v52 =	vld [tilespmem:s23+$0x20]  }
0x12d: {  	s22 =	simm.s32 $0x0;
	v53 =	vld [tilespmem:s23+$0xFFFFFFC0];
	s23 =	simm.s32 $0x140  }
.LBB2_5:
0x12e: {  	s22 =	sadd.s32 $0x80, s22;
	[tilespmem:v58+s15+$0x0] =	vst.idx.msk $0xffff, v50;
	v58 =	vld [tilespmem:s23+$0x30]  }
0x12f: {  	p3 =	slt.u32 s22, $0x1300;
	[tilespmem:v59+s15+$0x0] =	vst.idx.msk $0xffff, v50;
	v59 =	vld [tilespmem:s23+$0xFFFFFFD0]  }
0x130: {  	[tilespmem:v57+s15+$0x0] =	vst.idx.msk $0xffff, v50;
	v57 =	vld [tilespmem:s23+$0xFFFFFFE0]  }
.Ltmp4:
0x131: {  	[tilespmem:v55+s15+$0x0] =	vst.idx.msk $0xffff, v50;
	v55 =	vld [tilespmem:s23+$0xFFFFFFF0];
	(pc) =	sbr.rel @p3 .LBB2_5-.Ltmp4, $4  }
0x132: {  	[tilespmem:v56+s15+$0x0] =	vst.idx.msk $0xffff, v50;
	v56 =	vld [tilespmem:s23+$0x0]  }
0x133: {  	[tilespmem:v54+s15+$0x0] =	vst.idx.msk $0xffff, v50;
	v54 =	vld [tilespmem:s23+$0x10]  }
0x134: {  	[tilespmem:v52+s15+$0x0] =	vst.idx.msk $0xffff, v50;
	v52 =	vld [tilespmem:s23+$0x20]  }
0x135: {  	[tilespmem:v53+s15+$0x0] =	vst.idx.msk $0xffff, v50;
	v53 =	vld [tilespmem:s23+$0xFFFFFFC0];
	s23 =	sadd.s32 $0x100, s23  }
0x136: {  	_ =	sdelay $0x3  }
0x137: {  	[tilespmem:v58+s15+$0x0] =	vst.idx.msk $0xffff, v50  }
0x138: {  	[tilespmem:v59+s15+$0x0] =	vst.idx.msk $0xffff, v50;
	p3 =	seq.s32 s21, $0x9  }
0x139: {  	[tilespmem:v57+s15+$0x0] =	vst.idx.msk $0xffff, v50;
	s22 =	smul.u32 @!p3 $0x4E, s21  }
0x13a: {  	[tilespmem:v55+s15+$0x0] =	vst.idx.msk $0xffff, v50  }
0x13b: {  	[tilespmem:v56+s15+$0x0] =	vst.idx.msk $0xffff, v50;
	s22 =	sadd.s32 @!p3 s22, s7  }
0x13c: {  	[tilespmem:v54+s15+$0x0] =	vst.idx.msk $0xffff, v50;
	s22 =	sshll.u32 @!p3 s22, $0x5  }
0x13d: {  	[tilespmem:v52+s15+$0x0] =	vst.idx.msk $0xffff, v50;
	s22 =	sand.u32 @!p3 $0x1FFFFFE0, s22  }
0x13e: {  	s23 =	simm.s32 @!p3 $0x0;
	[tilespmem:v53+s15+$0x0] =	vst.idx.msk $0xffff, v50;
	s22 =	sadd.s32 @!p3 s0, s22  }
0x13f: {  	[tilespmem:s23], [sflag:$0x1] =	stream.linear.gather @!p3 [hbm4b:s22+s23], $0x2700, $0x38;
	[tilespmem:$0x1F400] =	vst v63  }
0x140: {  	_ =	swait.ge [sflag:s16], $0x2700  }
0x141: {  	[sflag:s16] =	ssyncset.done $0x0  }
0x142: {  	s23 =	simm.s32 $0x2740;
	[sflag:s16] =	ssyncadd.s32 $0xFFFFD900  }
0x143: {  	v52 =	vld [tilespmem:s23+$0x30]  }
0x144: {  	v53 =	vld [tilespmem:s23+$0xFFFFFFD0]  }
0x145: {  	v54 =	vld [tilespmem:s23+$0xFFFFFFE0]  }
0x146: {  	v55 =	vld [tilespmem:s23+$0xFFFFFFF0]  }
0x147: {  	v56 =	vld [tilespmem:s23+$0x0]  }
0x148: {  	v57 =	vld [tilespmem:s23+$0x10]  }
0x149: {  	v58 =	vld [tilespmem:s23+$0x20]  }
0x14a: {  	s22 =	simm.s32 $0x0;
	v59 =	vld [tilespmem:s23+$0xFFFFFFC0];
	s23 =	simm.s32 $0x2840  }
.LBB2_7:
0x14b: {  	s22 =	sadd.s32 $0x80, s22;
	[tilespmem:v52+s15+$0x0] =	vst.idx.msk $0xffff, v50;
	v52 =	vld [tilespmem:s23+$0x30]  }
0x14c: {  	p4 =	slt.u32 s22, $0x1300;
	[tilespmem:v53+s15+$0x0] =	vst.idx.msk $0xffff, v50;
	v53 =	vld [tilespmem:s23+$0xFFFFFFD0]  }
0x14d: {  	[tilespmem:v54+s15+$0x0] =	vst.idx.msk $0xffff, v50;
	v54 =	vld [tilespmem:s23+$0xFFFFFFE0]  }
.Ltmp5:
0x14e: {  	[tilespmem:v55+s15+$0x0] =	vst.idx.msk $0xffff, v50;
	v55 =	vld [tilespmem:s23+$0xFFFFFFF0];
	(pc) =	sbr.rel @p4 .LBB2_7-.Ltmp5, $4  }
0x14f: {  	[tilespmem:v56+s15+$0x0] =	vst.idx.msk $0xffff, v50;
	v56 =	vld [tilespmem:s23+$0x0]  }
0x150: {  	[tilespmem:v57+s15+$0x0] =	vst.idx.msk $0xffff, v50;
	v57 =	vld [tilespmem:s23+$0x10]  }
0x151: {  	[tilespmem:v58+s15+$0x0] =	vst.idx.msk $0xffff, v50;
	v58 =	vld [tilespmem:s23+$0x20]  }
0x152: {  	[tilespmem:v59+s15+$0x0] =	vst.idx.msk $0xffff, v50;
	v59 =	vld [tilespmem:s23+$0xFFFFFFC0];
	s23 =	sadd.s32 $0x100, s23  }
0x153: {  	_ =	sdelay $0x3  }
0x154: {  	[tilespmem:v52+s15+$0x0] =	vst.idx.msk $0xffff, v50  }
0x155: {  	[tilespmem:v53+s15+$0x0] =	vst.idx.msk $0xffff, v50  }
0x156: {  	[tilespmem:v54+s15+$0x0] =	vst.idx.msk $0xffff, v50  }
.Ltmp6:
0x157: {  	[tilespmem:v55+s15+$0x0] =	vst.idx.msk $0xffff, v50;
	(pc) =	sbr.rel @p3 .LBB2_10-.Ltmp6, $4  }
0x158: {  	[tilespmem:v56+s15+$0x0] =	vst.idx.msk $0xffff, v50  }
0x159: {  	[tilespmem:v57+s15+$0x0] =	vst.idx.msk $0xffff, v50  }
0x15a: {  	[tilespmem:v58+s15+$0x0] =	vst.idx.msk $0xffff, v50  }
0x15b: {  	[tilespmem:v59+s15+$0x0] =	vst.idx.msk $0xffff, v50  }
0x15c: {  	s22 =	smul.u32 $0x4E, s21;
	_ =	sdelay $0x1  }
.Ltmp7:
0x15d: {  	s22 =	sadd.s32 s22, s8;
	(pc) =	sbr.rel .LBB2_4-.Ltmp7, $4  }
0x15e: {  	s22 =	sshll.u32 s22, $0x5  }
0x15f: {  	s22 =	sand.u32 $0x1FFFFFE0, s22  }
0x160: {  	s21 =	sadd.s32 $0x1, s21;
	s22 =	sadd.s32 s0, s22  }
0x161: {  	[tilespmem:s13], [sflag:$0x2] =	stream.linear.gather [hbm4b:s22+s4], $0x2700, $0x38;
	[tilespmem:$0x1F400] =	vst v63  }
.LBB2_11:
0x162: {  	s21 =	rddreg [dreg:$0x1];
	s22 =	simm.s32 $0x4F00  }
0x163: {  	[tilespmem:s22], [sflag:$0x3] =	stream.linear.gather [hbm4b:s21+s4], $0x80, $0x38;
	[tilespmem:$0x1F400] =	vst v63  }
0x164: {  	_ =	swait.ge [sflag:s18], $0x80  }
0x165: {  	[sflag:s18] =	ssyncset.done $0x0  }
0x166: {  	[sflag:s18] =	ssyncadd.s32 $0xFFFFFF80  }
0x167: {  	v52 =	vld [tilespmem:$0x4F00];
	_ =	sdelay $0x7  }
0x168: {  	[tilespmem:v52+s15+$0x0] =	vst.idx.add.s32.msk $0x1, v51  }
0x169: {  	[tilespmem:v52+s15+$0x0] =	vst.idx.add.s32.msk vm0, v51  }
0x16a: {  	[tilespmem:v52+s15+$0x0] =	vst.idx.add.s32.msk vm1, v51  }
0x16b: {  	[tilespmem:v52+s15+$0x0] =	vst.idx.add.s32.msk vm2, v51  }
0x16c: {  	[tilespmem:v52+s15+$0x0] =	vst.idx.add.s32.msk vm3, v51  }
0x16d: {  	[tilespmem:v52+s15+$0x0] =	vst.idx.add.s32.msk vm4, v51  }
0x16e: {  	[tilespmem:v52+s15+$0x0] =	vst.idx.add.s32.msk vm5, v51  }
0x16f: {  	[tilespmem:v52+s15+$0x0] =	vst.idx.add.s32.msk vm6, v51  }
0x170: {  	[tilespmem:v52+s15+$0x0] =	vst.idx.add.s32.msk vm7, v51  }
0x171: {  	[tilespmem:v52+s15+$0x0] =	vst.idx.add.s32.msk vm8, v51  }
0x172: {  	[tilespmem:v52+s15+$0x0] =	vst.idx.add.s32.msk vm9, v51  }
0x173: {  	[tilespmem:v52+s15+$0x0] =	vst.idx.add.s32.msk vm10, v51  }
0x174: {  	[tilespmem:v52+s15+$0x0] =	vst.idx.add.s32.msk vm11, v51  }
0x175: {  	[tilespmem:v52+s15+$0x0] =	vst.idx.add.s32.msk vm12, v51  }
0x176: {  	[tilespmem:v52+s15+$0x0] =	vst.idx.add.s32.msk vm13, v51  }
0x177: {  	[tilespmem:v52+s15+$0x0] =	vst.idx.add.s32.msk vm14, v51  }
0x178: {  	v52 =	vld [tilespmem:$0x4F10];
	_ =	sdelay $0x7  }
0x179: {  	[tilespmem:v52+s15+$0x0] =	vst.idx.add.s32.msk $0x1, v51  }
0x17a: {  	[tilespmem:v52+s15+$0x0] =	vst.idx.add.s32.msk vm0, v51  }
0x17b: {  	[tilespmem:v52+s15+$0x0] =	vst.idx.add.s32.msk vm1, v51  }
0x17c: {  	[tilespmem:v52+s15+$0x0] =	vst.idx.add.s32.msk vm2, v51  }
0x17d: {  	[tilespmem:v52+s15+$0x0] =	vst.idx.add.s32.msk vm3, v51  }
0x17e: {  	[tilespmem:v52+s15+$0x0] =	vst.idx.add.s32.msk vm4, v51  }
0x17f: {  	[tilespmem:v52+s15+$0x0] =	vst.idx.add.s32.msk vm5, v51  }
0x180: {  	[tilespmem:v52+s15+$0x0] =	vst.idx.add.s32.msk vm6, v51  }
0x181: {  	[tilespmem:v52+s15+$0x0] =	vst.idx.add.s32.msk vm7, v51  }
0x182: {  	[tilespmem:v52+s15+$0x0] =	vst.idx.add.s32.msk vm8, v51  }
0x183: {  	[tilespmem:v52+s15+$0x0] =	vst.idx.add.s32.msk vm9, v51  }
0x184: {  	[tilespmem:v52+s15+$0x0] =	vst.idx.add.s32.msk vm10, v51  }
0x185: {  	[tilespmem:v52+s15+$0x0] =	vst.idx.add.s32.msk vm11, v51  }
0x186: {  	[tilespmem:v52+s15+$0x0] =	vst.idx.add.s32.msk vm12, v51  }
0x187: {  	[tilespmem:v52+s15+$0x0] =	vst.idx.add.s32.msk vm13, v51  }
0x188: {  	[tilespmem:v52+s15+$0x0] =	vst.idx.add.s32.msk vm14, v51  }
0x189: {  	v52 =	vld [tilespmem:$0x4F20];
	_ =	sdelay $0x7  }
0x18a: {  	[tilespmem:v52+s15+$0x0] =	vst.idx.add.s32.msk $0x1, v51  }
0x18b: {  	[tilespmem:v52+s15+$0x0] =	vst.idx.add.s32.msk vm0, v51  }
0x18c: {  	[tilespmem:v52+s15+$0x0] =	vst.idx.add.s32.msk vm1, v51  }
0x18d: {  	[tilespmem:v52+s15+$0x0] =	vst.idx.add.s32.msk vm2, v51  }
0x18e: {  	[tilespmem:v52+s15+$0x0] =	vst.idx.add.s32.msk vm3, v51  }
0x18f: {  	[tilespmem:v52+s15+$0x0] =	vst.idx.add.s32.msk vm4, v51  }
0x190: {  	[tilespmem:v52+s15+$0x0] =	vst.idx.add.s32.msk vm5, v51  }
0x191: {  	[tilespmem:v52+s15+$0x0] =	vst.idx.add.s32.msk vm6, v51  }
0x192: {  	[tilespmem:v52+s15+$0x0] =	vst.idx.add.s32.msk vm7, v51  }
0x193: {  	[tilespmem:v52+s15+$0x0] =	vst.idx.add.s32.msk vm8, v51  }
0x194: {  	[tilespmem:v52+s15+$0x0] =	vst.idx.add.s32.msk vm9, v51  }
0x195: {  	[tilespmem:v52+s15+$0x0] =	vst.idx.add.s32.msk vm10, v51  }
0x196: {  	[tilespmem:v52+s15+$0x0] =	vst.idx.add.s32.msk vm11, v51  }
0x197: {  	[tilespmem:v52+s15+$0x0] =	vst.idx.add.s32.msk vm12, v51  }
0x198: {  	[tilespmem:v52+s15+$0x0] =	vst.idx.add.s32.msk vm13, v51  }
0x199: {  	[tilespmem:v52+s15+$0x0] =	vst.idx.add.s32.msk vm14, v51  }
0x19a: {  	v52 =	vld [tilespmem:$0x4F30];
	_ =	sdelay $0x7  }
0x19b: {  	[tilespmem:v52+s15+$0x0] =	vst.idx.add.s32.msk $0x1, v51  }
0x19c: {  	[tilespmem:v52+s15+$0x0] =	vst.idx.add.s32.msk vm0, v51  }
0x19d: {  	[tilespmem:v52+s15+$0x0] =	vst.idx.add.s32.msk vm1, v51  }
0x19e: {  	[tilespmem:v52+s15+$0x0] =	vst.idx.add.s32.msk vm2, v51  }
0x19f: {  	[tilespmem:v52+s15+$0x0] =	vst.idx.add.s32.msk vm3, v51  }
0x1a0: {  	[tilespmem:v52+s15+$0x0] =	vst.idx.add.s32.msk vm4, v51  }
0x1a1: {  	[tilespmem:v52+s15+$0x0] =	vst.idx.add.s32.msk vm5, v51  }
0x1a2: {  	[tilespmem:v52+s15+$0x0] =	vst.idx.add.s32.msk vm6, v51  }
0x1a3: {  	[tilespmem:v52+s15+$0x0] =	vst.idx.add.s32.msk vm7, v51  }
0x1a4: {  	[tilespmem:v52+s15+$0x0] =	vst.idx.add.s32.msk vm8, v51  }
0x1a5: {  	[tilespmem:v52+s15+$0x0] =	vst.idx.add.s32.msk vm9, v51  }
.Ltmp8:
0x1a6: {  	[tilespmem:v52+s15+$0x0] =	vst.idx.add.s32.msk vm10, v51;
	(pc) =	sbr.rel .LBB2_12-.Ltmp8, $4  }
0x1a7: {  	[tilespmem:v52+s15+$0x0] =	vst.idx.add.s32.msk vm11, v51  }
0x1a8: {  	[tilespmem:v52+s15+$0x0] =	vst.idx.add.s32.msk vm12, v51  }
0x1a9: {  	[tilespmem:v52+s15+$0x0] =	vst.idx.add.s32.msk vm13, v51  }
0x1aa: {  	[tilespmem:v52+s15+$0x0] =	vst.idx.add.s32.msk vm14, v51  }
.LBB2_13:
0x1ab: {  	_ =	sfence.sel $0x180000  }
0x1ac: {  	[bflag:$0x0] =	sbarrier.arrive $0xFFFF  }
0x1ad: {  	_ =	strace $0x90000047  }
0x1ae: {  	[bflag:$0x2] =	sbarrier.arrive $0xFFFF  }
0x1af: {  	s0 =	rddreg [dreg:$0x4]  }
0x1b0: {  	s0 =	sadd.s32 @!p0 $0x100000, s0  }
0x1b1: {  	[sflag:s0] =	ssyncadd.tile.s32 @!p0 $0x1;
	_ =	shalt  }
.Lfunc_end2:
_tile_overlayer_lowered:
.L_overlay_start_2:
0x1b2: {  	(tag) =	ssettag $0x2  }
0x1b3: {  	s0 =	rddreg [dreg:$0x0];
	s2 =	stileid.u32  }
0x1b4: {  	s1 =	rddreg [dreg:$0x1];
	p0 =	sne.s32 s2, $0x0  }
0x1b5: {  	s3 =	rddreg [dreg:$0x2];
	[bflag:$0x3] =	sbarrier.arrive $0xFFFF;
	s2 =	simm.s32 @!p0 $0x1C03  }
0x1b6: {  	[timem:s3], [sflag:s2] =	dma.local @!p0 [hbm:s0], s1  }
0x1b7: {  	s0 =	simm.s32 @!p0 $0x3  }
0x1b8: {  	_ =	swait.ge @!p0 [sflag:s0], s1  }
0x1b9: {  	s1 =	ssub.s32 @!p0 $0x0, s1;
	[sflag:s0] =	ssyncset.done @!p0 $0x0  }
0x1ba: {  	[sflag:s0] =	ssyncadd.s32 @!p0 s1  }
0x1bb: {  	[bflag:$0x3] =	sbarrier.arrive $0xFFFF  }
0x1bc: {  	_ =	shalt  }

</sc_bundles>
